<compile_context>
chip_gen: v7x
topology: tpu7x:2x2x1
jax: 0.10.2.dev20260603
libtpu: 0.0.44.dev20260713+nightly
codegen_flags: <defaults>
</compile_context>

<pallas_src>
import functools

import jax
import jax.numpy as jnp
from jax import lax
from jax.experimental import pallas as pl
from jax.experimental.pallas import tpu as pltpu
from jax.experimental.pallas import tpu_sc as plsc

NC = 2
NS = 16
NW = NC * NS
CK = 112
DEGW = 128
SPLIT_NUM = 10
SPLIT_DEN = 20


def _build_sc_kernels(NP, NGRP, G, D):
    mesh = plsc.VectorSubcoreMesh(core_axis_name="c", subcore_axis_name="s")
    RPW = NP // NS
    A = (NGRP * SPLIT_NUM) // SPLIT_DEN

    @functools.partial(
        pl.kernel, mesh=mesh,
        out_type=jax.ShapeDtypeStruct((NC, NP, DEGW), jnp.float32),
        scratch_types=[
            pltpu.VMEM((G, 2, CK), jnp.int32),
            pltpu.VMEM((CK, DEGW), jnp.float32),
            pltpu.VMEM_SHARED((NP, DEGW), jnp.float32),
        ],
    )
    def deg_kernel(idx_hbm, ones_hbm, zeros_hbm, out_hbm, idx_v, ones_v, acc):
        c = lax.axis_index("c")
        s = lax.axis_index("s")
        base = s * RPW
        half = NGRP // NC
        lo = c * half
        hi = half + c * (NGRP - half)
        pltpu.sync_copy(zeros_hbm.at[pl.ds(base, RPW)], acc.at[pl.ds(base, RPW)])
        pltpu.sync_copy(ones_hbm, ones_v)
        plsc.subcore_barrier()

        @pl.loop(0, hi - lo)
        def _(gg):
            pltpu.sync_copy(idx_hbm.at[s, lo + gg], idx_v)

            @pl.loop(0, G)
            def _(j):
                pltpu.sync_copy(ones_v, acc.at[idx_v.at[j, 1]], add=True)

        plsc.subcore_barrier()
        pltpu.sync_copy(acc.at[pl.ds(base, RPW)], out_hbm.at[c, pl.ds(base, RPW)])

    @functools.partial(
        pl.kernel, mesh=mesh,
        out_type=jax.ShapeDtypeStruct((NC, NP, D), jnp.float32),
        scratch_types=[
            pltpu.VMEM((G, 2, CK), jnp.int32),
            pltpu.VMEM((CK, D), jnp.float32),
            pltpu.VMEM((CK, D), jnp.float32),
            pltpu.VMEM_SHARED((NP, D), jnp.float32),
            pltpu.SemaphoreType.DMA,
            pltpu.SemaphoreType.DMA,
        ],
    )
    def msg_kernel(h_hbm, idx_hbm, zeros_hbm, out_hbm,
                   idx_v, buf_a, buf_b, acc, sem_a, sem_b):
        c = lax.axis_index("c")
        s = lax.axis_index("s")
        base = s * RPW
        lo = c * A
        hi = A + c * (NGRP - A)
        pltpu.sync_copy(zeros_hbm.at[pl.ds(base, RPW)], acc.at[pl.ds(base, RPW)])
        plsc.subcore_barrier()

        @pl.loop(0, hi - lo)
        def _(gg):
            pltpu.sync_copy(idx_hbm.at[s, lo + gg], idx_v)
            pltpu.async_copy(h_hbm.at[idx_v.at[0, 0]], buf_a, sem_a)

            @pl.loop(0, G, step=2)
            def _(j):
                pltpu.make_async_copy(h_hbm.at[idx_v.at[j, 0]], buf_a,
                                      sem_a).wait()
                pltpu.async_copy(h_hbm.at[idx_v.at[j + 1, 0]], buf_b, sem_b)
                pltpu.sync_copy(buf_a, acc.at[idx_v.at[j, 1]], add=True)
                pltpu.make_async_copy(h_hbm.at[idx_v.at[j + 1, 0]], buf_b,
                                      sem_b).wait()

                @pl.when(j + 2 < G)
                def _():
                    pltpu.async_copy(h_hbm.at[idx_v.at[j + 2, 0]], buf_a, sem_a)

                pltpu.sync_copy(buf_b, acc.at[idx_v.at[j + 1, 1]], add=True)

        plsc.subcore_barrier()
        pltpu.sync_copy(acc.at[pl.ds(base, RPW)], out_hbm.at[c, pl.ds(base, RPW)])

    return deg_kernel, msg_kernel


def _matmul_call(NP, Dh):
    def body(x_ref, w_ref, h_ref):
        h_ref[...] = jnp.dot(x_ref[...], w_ref[...],
                             preferred_element_type=jnp.float32)

    return pl.pallas_call(
        body,
        out_shape=jax.ShapeDtypeStruct((NP, Dh), jnp.float32),
    )


def _prep_call(NP, Nn, Dh):
    def body(h_ref, degp_ref, h_ref_out, dinv_ref):
        deg = degp_ref[0, :, 0:1] + degp_ref[1, :, 0:1]
        row = lax.broadcasted_iota(jnp.int32, (NP, 1), 0)
        dinv = jnp.where((deg > 0.0) & (row < Nn),
                         lax.rsqrt(jnp.maximum(deg, 1e-12)), 0.0)
        h_ref_out[...] = h_ref[...] * dinv
        dinv_ref[...] = dinv

    return pl.pallas_call(
        body,
        out_shape=(jax.ShapeDtypeStruct((NP, Dh), jnp.float32),
                   jax.ShapeDtypeStruct((NP, 1), jnp.float32)),
    )


def _mid_call(NP, Dh, Do):
    def body(p_ref, dinv_ref, b1_ref, w2_ref, h2_ref):
        dinv = dinv_ref[...]
        agg = p_ref[0] + p_ref[1]
        h = jnp.maximum(agg * dinv + b1_ref[...], 0.0)
        h2_ref[...] = jnp.dot(h, w2_ref[...],
                              preferred_element_type=jnp.float32) * dinv

    return pl.pallas_call(
        body,
        out_shape=jax.ShapeDtypeStruct((NP, Dh), jnp.float32),
    )


def _final_call(NP, Nn, Do):
    def body(p_ref, dinv_ref, b2_ref, o_ref):
        agg = p_ref[0, :Nn, :] + p_ref[1, :Nn, :]
        o_ref[...] = agg * dinv_ref[:Nn, :] + b2_ref[...]

    return pl.pallas_call(
        body,
        out_shape=jax.ShapeDtypeStruct((Nn, Do), jnp.float32),
    )


def kernel(x, edge_index, W1, b1, W2, b2):
    Nn, Din = x.shape
    Dh = W1.shape[1]
    Do = W2.shape[1]
    E = edge_index.shape[1]
    G = 4
    NGRP = -(-E // (NS * G * CK))
    EP = NGRP * NS * G * CK
    NP = -(-(Nn + 1) // (NS * 8)) * (NS * 8)

    ei = edge_index.astype(jnp.int32)
    pad = Nn + jnp.arange(EP - E, dtype=jnp.int32) % (NP - Nn)
    src = jnp.concatenate([ei[0], pad]).reshape(NS, NGRP, G, 1, CK)
    dst = jnp.concatenate([ei[1], pad]).reshape(NS, NGRP, G, 1, CK)
    idx = jnp.concatenate([src, dst], axis=3)
    x_pad = jnp.pad(x, ((0, NP - Nn), (0, 0)))

    ones_deg = jnp.ones((CK, DEGW), jnp.float32)
    zeros_deg = jnp.zeros((NP, DEGW), jnp.float32)
    zeros_d = jnp.zeros((NP, Dh), jnp.float32)

    deg_k, msg_k = _build_sc_kernels(NP, NGRP, G, Dh)

    degp = deg_k(idx, ones_deg, zeros_deg)
    h1 = _matmul_call(NP, Dh)(x_pad, W1)
    h1p, dinv = _prep_call(NP, Nn, Dh)(h1, degp)
    p1 = msg_k(h1p, idx, zeros_d)
    h2p = _mid_call(NP, Dh, Do)(p1, dinv, b1.reshape(1, Dh), W2)
    p2 = msg_k(h2p, idx, zeros_d)
    return _final_call(NP, Nn, Do)(p2, dinv, b2.reshape(1, Do))

# --- scband reference (transcript-rebuilt; emitter-appended) ---
"""Pipeline reference for scband-gcn2-4956392259903 (READ-ONLY COPY).

The authoritative reference and input builder live on the scoring server;
editing this copy changes nothing except your own understanding.
"""

import jax, jax.numpy as jnp
import numpy as np

N = 10000
E = 320000
D_IN = 128
D_HID = 128
D_OUT = 128

def gcn_conv(x, edge_index, W, b):
    # PyG GCNConv with add_self_loops=False, normalize=True
    n = x.shape[0]
    src = edge_index[0]
    dst = edge_index[1]
    deg = jnp.zeros((n,), dtype=x.dtype).at[dst].add(1.0)
    dinv = jnp.where(deg > 0, jax.lax.rsqrt(jnp.maximum(deg, 1e-12)), 0.0)
    norm = dinv[src] * dinv[dst]
    h = x @ W
    msg = h[src] * norm[:, None]
    out = jnp.zeros((n, W.shape[1]), dtype=x.dtype).at[dst].add(msg)
    return out + b

def setup_inputs(seed: int = 0) -> dict:
    key = jax.random.key(seed)
    k1, k2, k3, k4 = jax.random.split(key, 4)
    x = jax.random.normal(k1, (N, D_IN), dtype=jnp.float32)
    edge_index = jax.random.randint(k2, (2, E), 0, N)
    W1 = jax.random.normal(k3, (D_IN, D_HID), dtype=jnp.float32) * (1.0 / np.sqrt(D_IN))
    b1 = jnp.zeros((D_HID,), dtype=jnp.float32)
    W2 = jax.random.normal(k4, (D_HID, D_OUT), dtype=jnp.float32) * (1.0 / np.sqrt(D_HID))
    b2 = jnp.zeros((D_OUT,), dtype=jnp.float32)
    return {"x": x, "edge_index": edge_index, "W1": W1, "b1": b1, "W2": W2, "b2": b2}

def reference(x, edge_index, W1, b1, W2, b2):
    h = gcn_conv(x, edge_index, W1, b1)
    h = jax.nn.relu(h)
    # dropout is identity in eval mode
    out = gcn_conv(h, edge_index, W2, b2)
    return out

if __name__ == "__main__":
    import jax
    _d = setup_inputs()
    print(jax.jit(kernel)(*tuple(_d.values())))

</pallas_src>

<mosaic_0001>
#map = affine_map<(d0, d1) -> (0, 0)>
#map1 = affine_map<(d0, d1) -> (0, 0, 0, 0, 0)>
#map2 = affine_map<(d0, d1) -> (0, 0, 0)>
module attributes {stable_mosaic.version = 14 : i64} {
  func.func @msg_kernel(%arg0: i32, %arg1: i32, %arg2: memref<10112x128xf32, #tpu.memory_space<hbm>>, %arg3: memref<16x45x4x2x112xi32, #tpu.memory_space<hbm>>, %arg4: memref<10112x128xf32, #tpu.memory_space<hbm>>, %arg5: memref<2x10112x128xf32, #tpu.memory_space<hbm>>, %arg6: memref<4x2x112xi32, #tpu.memory_space<vmem>>, %arg7: memref<112x128xf32, #tpu.memory_space<vmem>>, %arg8: memref<112x128xf32, #tpu.memory_space<vmem>>, %arg9: memref<10112x128xf32, #tpu.memory_space<vmem_shared>>, %arg10: memref<!tpu.dma_semaphore, #tpu.memory_space<semaphore_mem>>, %arg11: memref<!tpu.dma_semaphore, #tpu.memory_space<semaphore_mem>>) attributes {dimension_semantics = [#tpu.dimension_semantics<core_parallel>, #tpu.dimension_semantics<subcore_parallel>], iteration_bounds = array<i64: 2, 16>, scalar_prefetch = 0 : i64, scratch_operands = 6 : i64, tpu.core_type = #tpu.core_type<sc_vector_subcore>, window_params = [{transform_indices = #map}, {transform_indices = #map1}, {transform_indices = #map}, {transform_indices = #map2}]} {
    %mul3A = arith.constant 632 : i32
    %mul3A_0 = arith.muli %arg1, %mul3A : i32
    %mul3A_1 = arith.constant 22 : i32
    %mul3A_2 = arith.muli %arg0, %mul3A_1 : i32
    %mul3A_3 = arith.constant 23 : i32
    %mul3A_4 = arith.muli %arg0, %mul3A_3 : i32
    %add3A = arith.constant 22 : i32
    %add3A_5 = arith.addi %add3A, %mul3A_4 : i32
    "tpu.region"() ({
      %run_scoped3A = tpu.sem_alloc : memref<!tpu.dma_semaphore, #tpu.memory_space<semaphore_mem>>
      %dma_start3A = arith.constant 0 : i32
      %dma_start3A_24 = tpu.memref_slice %arg9[%mul3A_0, %dma_start3A] : memref<10112x128xf32, #tpu.memory_space<vmem_shared>> -> memref<632x128xf32, #tpu.memory_space<vmem_shared>>
      %dma_start3A_25 = arith.constant 0 : i32
      %dma_start3A_26 = tpu.memref_slice %arg4[%mul3A_0, %dma_start3A_25] : memref<10112x128xf32, #tpu.memory_space<hbm>> -> memref<632x128xf32, #tpu.memory_space<hbm>>
      tpu.enqueue_dma source(%dma_start3A_26 : memref<632x128xf32, #tpu.memory_space<hbm>>) target(%dma_start3A_24 : memref<632x128xf32, #tpu.memory_space<vmem_shared>>) target_semaphore(%run_scoped3A : memref<!tpu.dma_semaphore, #tpu.memory_space<semaphore_mem>>)
      %dma_wait3A = arith.constant 0 : i32
      %dma_wait3A_27 = tpu.memref_slice %arg9[%mul3A_0, %dma_wait3A] : memref<10112x128xf32, #tpu.memory_space<vmem_shared>> -> memref<632x128xf32, #tpu.memory_space<vmem_shared>>
      %dma_wait3A_28 = arith.constant 0 : i32
      %dma_wait3A_29 = tpu.memref_slice %arg4[%mul3A_0, %dma_wait3A_28] : memref<10112x128xf32, #tpu.memory_space<hbm>> -> memref<632x128xf32, #tpu.memory_space<hbm>>
      tpu.wait_dma2 semaphore(%run_scoped3A : memref<!tpu.dma_semaphore, #tpu.memory_space<semaphore_mem>>) src(%dma_wait3A_29 : memref<632x128xf32, #tpu.memory_space<hbm>>) dst(%dma_wait3A_27 : memref<632x128xf32, #tpu.memory_space<vmem_shared>>)
      tpu.yield
    }) : () -> ()
    %barrier3A = arith.constant 0 : index
    tpu.barrier barrier_id(%barrier3A)
    %sub3A = arith.subi %add3A_5, %mul3A_2 : i32
    %sub3A_6 = arith.constant 0 : i32
    %sub3A_7 = arith.subi %sub3A, %sub3A_6 : i32
    %sub3A_8 = arith.constant 1 : i32
    %sub3A_9 = arith.constant 1 : i32
    %sub3A_10 = arith.subi %sub3A_8, %sub3A_9 : i32
    %add3A_11 = arith.addi %sub3A_7, %sub3A_10 : i32
    %div3A = arith.constant 1 : i32
    %div3A_12 = arith.divsi %add3A_11, %div3A : i32
    %while3A = arith.constant 1 : i32
    %while3A_13 = arith.constant 0 : i32
    %while3A_14 = arith.constant 0 : i32
    %while3A_15 = arith.subi %div3A_12, %while3A_14 : i32
    %while3A_16 = arith.addi %while3A_14, %while3A_15 : i32
    %while3A_17 = arith.constant 1 : i32
    %while3A_18 = arith.divsi %while3A_15, %while3A_17 : i32
    %while3A_19 = arith.muli %while3A_18, %while3A_17 : i32
    %while3A_20 = arith.addi %while3A_14, %while3A_19 : i32
    %while3A_21 = arith.constant 1 : i32
    scf.for %while3A_24 = %while3A_14 to %while3A_20 step %while3A_21  : i32 {
      %mul3A_25 = arith.muli %while3A_24, %while3A : i32
      %add3A_26 = arith.addi %while3A_13, %mul3A_25 : i32
      %add3A_27 = arith.addi %mul3A_2, %add3A_26 : i32
      "tpu.region"() ({
        %run_scoped3A = tpu.sem_alloc : memref<!tpu.dma_semaphore, #tpu.memory_space<semaphore_mem>>
        %dma_start3A_39 = arith.constant 0 : i32
        %dma_start3A_40 = arith.constant 0 : i32
        %dma_start3A_41 = arith.constant 0 : i32
        %dma_start3A_42 = tpu.memref_slice %arg3[%arg1, %add3A_27, %dma_start3A_39, %dma_start3A_40, %dma_start3A_41] : memref<16x45x4x2x112xi32, #tpu.memory_space<hbm>> -> memref<1x1x4x2x112xi32, #tpu.memory_space<hbm>>
        %dma_start3A_43 = tpu.memref_squeeze %dma_start3A_42 : memref<1x1x4x2x112xi32, #tpu.memory_space<hbm>> -> memref<4x2x112xi32, #tpu.memory_space<hbm>>
        %dma_start3A_44 = arith.constant 0 : i32
        %dma_start3A_45 = arith.constant 0 : i32
        %dma_start3A_46 = arith.constant 0 : i32
        %dma_start3A_47 = tpu.memref_slice %arg3[%arg1, %add3A_27, %dma_start3A_44, %dma_start3A_45, %dma_start3A_46] : memref<16x45x4x2x112xi32, #tpu.memory_space<hbm>> -> memref<1x1x4x2x112xi32, #tpu.memory_space<hbm>>
        %dma_start3A_48 = tpu.memref_squeeze %dma_start3A_47 : memref<1x1x4x2x112xi32, #tpu.memory_space<hbm>> -> memref<4x2x112xi32, #tpu.memory_space<hbm>>
        tpu.enqueue_dma source(%dma_start3A_48 : memref<4x2x112xi32, #tpu.memory_space<hbm>>) target(%arg6 : memref<4x2x112xi32, #tpu.memory_space<vmem>>) target_semaphore(%run_scoped3A : memref<!tpu.dma_semaphore, #tpu.memory_space<semaphore_mem>>)
        %dma_wait3A = arith.constant 0 : i32
        %dma_wait3A_49 = arith.constant 0 : i32
        %dma_wait3A_50 = arith.constant 0 : i32
        %dma_wait3A_51 = tpu.memref_slice %arg3[%arg1, %add3A_27, %dma_wait3A, %dma_wait3A_49, %dma_wait3A_50] : memref<16x45x4x2x112xi32, #tpu.memory_space<hbm>> -> memref<1x1x4x2x112xi32, #tpu.memory_space<hbm>>
        %dma_wait3A_52 = tpu.memref_squeeze %dma_wait3A_51 : memref<1x1x4x2x112xi32, #tpu.memory_space<hbm>> -> memref<4x2x112xi32, #tpu.memory_space<hbm>>
        %dma_wait3A_53 = arith.constant 0 : i32
        %dma_wait3A_54 = arith.constant 0 : i32
        %dma_wait3A_55 = arith.constant 0 : i32
        %dma_wait3A_56 = tpu.memref_slice %arg3[%arg1, %add3A_27, %dma_wait3A_53, %dma_wait3A_54, %dma_wait3A_55] : memref<16x45x4x2x112xi32, #tpu.memory_space<hbm>> -> memref<1x1x4x2x112xi32, #tpu.memory_space<hbm>>
        %dma_wait3A_57 = tpu.memref_squeeze %dma_wait3A_56 : memref<1x1x4x2x112xi32, #tpu.memory_space<hbm>> -> memref<4x2x112xi32, #tpu.memory_space<hbm>>
        tpu.wait_dma2 semaphore(%run_scoped3A : memref<!tpu.dma_semaphore, #tpu.memory_space<semaphore_mem>>) src(%dma_wait3A_57 : memref<4x2x112xi32, #tpu.memory_space<hbm>>) dst(%arg6 : memref<4x2x112xi32, #tpu.memory_space<vmem>>)
        tpu.yield
      }) : () -> ()
      %dma_start3A = arith.constant 0 : i32
      %dma_start3A_28 = arith.constant 0 : i32
      %dma_start3A_29 = arith.constant 0 : i32
      %dma_start3A_30 = tpu.memref_slice %arg6[%dma_start3A, %dma_start3A_28, %dma_start3A_29] : memref<4x2x112xi32, #tpu.memory_space<vmem>> -> memref<1x1x112xi32, #tpu.memory_space<vmem>>
      %dma_start3A_31 = tpu.memref_squeeze %dma_start3A_30 : memref<1x1x112xi32, #tpu.memory_space<vmem>> -> memref<112xi32, #tpu.memory_space<vmem>>
      %dma_start3A_32 = arith.constant 0 : i32
      %dma_start3A_33 = arith.constant 0 : i32
      %dma_start3A_34 = tpu.memref_slice %arg2[%dma_start3A_32, %dma_start3A_33] : memref<10112x128xf32, #tpu.memory_space<hbm>> -> memref<10112x128xf32, #tpu.memory_space<hbm>>
      tpu.enqueue_indirect_dma source(%dma_start3A_34 : memref<10112x128xf32, #tpu.memory_space<hbm>>) target(%arg7 : memref<112x128xf32, #tpu.memory_space<vmem>>) offsets(%dma_start3A_31 : memref<112xi32, #tpu.memory_space<vmem>>) semaphore(%arg10 : memref<!tpu.dma_semaphore, #tpu.memory_space<semaphore_mem>>)
      %scan3A = arith.constant 0 : i32
      %scan3A_35 = arith.constant 2 : i32
      %scan3A_36 = arith.addi %scan3A, %scan3A_35 : i32
      %scan3A_37 = arith.constant 1 : i32
      scf.for %scan3A_39 = %scan3A to %scan3A_36 step %scan3A_37  : i32 {
        %mul3A_40 = arith.constant 2 : i32
        %mul3A_41 = arith.muli %scan3A_39, %mul3A_40 : i32
        %add3A_42 = arith.constant 0 : i32
        %add3A_43 = arith.addi %add3A_42, %mul3A_41 : i32
        %dma_wait3A = arith.constant 0 : i32
        %dma_wait3A_44 = arith.constant 0 : i32
        %dma_wait3A_45 = tpu.memref_slice %arg6[%add3A_43, %dma_wait3A, %dma_wait3A_44] : memref<4x2x112xi32, #tpu.memory_space<vmem>> -> memref<1x1x112xi32, #tpu.memory_space<vmem>>
        %dma_wait3A_46 = tpu.memref_squeeze %dma_wait3A_45 : memref<1x1x112xi32, #tpu.memory_space<vmem>> -> memref<112xi32, #tpu.memory_space<vmem>>
        %dma_wait3A_47 = arith.constant 0 : i32
        %dma_wait3A_48 = arith.constant 0 : i32
        %dma_wait3A_49 = tpu.memref_slice %arg2[%dma_wait3A_47, %dma_wait3A_48] : memref<10112x128xf32, #tpu.memory_space<hbm>> -> memref<10112x128xf32, #tpu.memory_space<hbm>>
        tpu.wait_indirect_dma semaphore(%arg10 : memref<!tpu.dma_semaphore, #tpu.memory_space<semaphore_mem>>) src(%dma_wait3A_49 : memref<10112x128xf32, #tpu.memory_space<hbm>>) dst(%arg7 : memref<112x128xf32, #tpu.memory_space<vmem>>)
        %add3A_50 = arith.constant 1 : i32
        %add3A_51 = arith.addi %add3A_43, %add3A_50 : i32
        %dma_start3A_52 = arith.constant 0 : i32
        %dma_start3A_53 = arith.constant 0 : i32
        %dma_start3A_54 = tpu.memref_slice %arg6[%add3A_51, %dma_start3A_52, %dma_start3A_53] : memref<4x2x112xi32, #tpu.memory_space<vmem>> -> memref<1x1x112xi32, #tpu.memory_space<vmem>>
        %dma_start3A_55 = tpu.memref_squeeze %dma_start3A_54 : memref<1x1x112xi32, #tpu.memory_space<vmem>> -> memref<112xi32, #tpu.memory_space<vmem>>
        %dma_start3A_56 = arith.constant 0 : i32
        %dma_start3A_57 = arith.constant 0 : i32
        %dma_start3A_58 = tpu.memref_slice %arg2[%dma_start3A_56, %dma_start3A_57] : memref<10112x128xf32, #tpu.memory_space<hbm>> -> memref<10112x128xf32, #tpu.memory_space<hbm>>
        tpu.enqueue_indirect_dma source(%dma_start3A_58 : memref<10112x128xf32, #tpu.memory_space<hbm>>) target(%arg8 : memref<112x128xf32, #tpu.memory_space<vmem>>) offsets(%dma_start3A_55 : memref<112xi32, #tpu.memory_space<vmem>>) semaphore(%arg11 : memref<!tpu.dma_semaphore, #tpu.memory_space<semaphore_mem>>)
        %run_scoped3A = arith.constant 1 : i32
        "tpu.region"() ({
          %run_scoped3A_75 = tpu.sem_alloc : memref<!tpu.dma_semaphore, #tpu.memory_space<semaphore_mem>>
          %dma_start3A_76 = arith.constant 0 : i32
          %dma_start3A_77 = tpu.memref_slice %arg6[%add3A_43, %run_scoped3A, %dma_start3A_76] : memref<4x2x112xi32, #tpu.memory_space<vmem>> -> memref<1x1x112xi32, #tpu.memory_space<vmem>>
          %dma_start3A_78 = tpu.memref_squeeze %dma_start3A_77 : memref<1x1x112xi32, #tpu.memory_space<vmem>> -> memref<112xi32, #tpu.memory_space<vmem>>
          %dma_start3A_79 = arith.constant 0 : i32
          %dma_start3A_80 = arith.constant 0 : i32
          %dma_start3A_81 = tpu.memref_slice %arg9[%dma_start3A_79, %dma_start3A_80] : memref<10112x128xf32, #tpu.memory_space<vmem_shared>> -> memref<10112x128xf32, #tpu.memory_space<vmem_shared>>
          tpu.enqueue_indirect_dma source(%arg7 : memref<112x128xf32, #tpu.memory_space<vmem>>) target(%dma_start3A_81 : memref<10112x128xf32, #tpu.memory_space<vmem_shared>>) offsets(%dma_start3A_78 : memref<112xi32, #tpu.memory_space<vmem>>) semaphore(%run_scoped3A_75 : memref<!tpu.dma_semaphore, #tpu.memory_space<semaphore_mem>>) {add = true}
          %dma_wait3A_82 = arith.constant 0 : i32
          %dma_wait3A_83 = tpu.memref_slice %arg6[%add3A_43, %run_scoped3A, %dma_wait3A_82] : memref<4x2x112xi32, #tpu.memory_space<vmem>> -> memref<1x1x112xi32, #tpu.memory_space<vmem>>
          %dma_wait3A_84 = tpu.memref_squeeze %dma_wait3A_83 : memref<1x1x112xi32, #tpu.memory_space<vmem>> -> memref<112xi32, #tpu.memory_space<vmem>>
          %dma_wait3A_85 = arith.constant 0 : i32
          %dma_wait3A_86 = arith.constant 0 : i32
          %dma_wait3A_87 = tpu.memref_slice %arg9[%dma_wait3A_85, %dma_wait3A_86] : memref<10112x128xf32, #tpu.memory_space<vmem_shared>> -> memref<10112x128xf32, #tpu.memory_space<vmem_shared>>
          tpu.wait_indirect_dma semaphore(%run_scoped3A_75 : memref<!tpu.dma_semaphore, #tpu.memory_space<semaphore_mem>>) src(%arg7 : memref<112x128xf32, #tpu.memory_space<vmem>>) dst(%dma_wait3A_87 : memref<10112x128xf32, #tpu.memory_space<vmem_shared>>)
          tpu.yield
        }) : () -> ()
        %add3A_59 = arith.constant 1 : i32
        %add3A_60 = arith.addi %add3A_43, %add3A_59 : i32
        %dma_wait3A_61 = arith.constant 0 : i32
        %dma_wait3A_62 = arith.constant 0 : i32
        %dma_wait3A_63 = tpu.memref_slice %arg6[%add3A_60, %dma_wait3A_61, %dma_wait3A_62] : memref<4x2x112xi32, #tpu.memory_space<vmem>> -> memref<1x1x112xi32, #tpu.memory_space<vmem>>
        %dma_wait3A_64 = tpu.memref_squeeze %dma_wait3A_63 : memref<1x1x112xi32, #tpu.memory_space<vmem>> -> memref<112xi32, #tpu.memory_space<vmem>>
        %dma_wait3A_65 = arith.constant 0 : i32
        %dma_wait3A_66 = arith.constant 0 : i32
        %dma_wait3A_67 = tpu.memref_slice %arg2[%dma_wait3A_65, %dma_wait3A_66] : memref<10112x128xf32, #tpu.memory_space<hbm>> -> memref<10112x128xf32, #tpu.memory_space<hbm>>
        tpu.wait_indirect_dma semaphore(%arg11 : memref<!tpu.dma_semaphore, #tpu.memory_space<semaphore_mem>>) src(%dma_wait3A_67 : memref<10112x128xf32, #tpu.memory_space<hbm>>) dst(%arg8 : memref<112x128xf32, #tpu.memory_space<vmem>>)
        %add3A_68 = arith.constant 2 : i32
        %add3A_69 = arith.addi %add3A_43, %add3A_68 : i32
        %lt3A = arith.constant 4 : i32
        %lt3A_70 = arith.cmpi slt, %add3A_69, %lt3A : i32
        %convert_element_type3A = arith.extui %lt3A_70 : i1 to i32
        %cond3A = arith.constant 0 : i32
        %cond3A_71 = arith.cmpi ne, %convert_element_type3A, %cond3A : i32
        scf.if %cond3A_71 {
          %add3A_75 = arith.constant 2 : i32
          %add3A_76 = arith.addi %add3A_43, %add3A_75 : i32
          %dma_start3A_77 = arith.constant 0 : i32
          %dma_start3A_78 = arith.constant 0 : i32
          %dma_start3A_79 = tpu.memref_slice %arg6[%add3A_76, %dma_start3A_77, %dma_start3A_78] : memref<4x2x112xi32, #tpu.memory_space<vmem>> -> memref<1x1x112xi32, #tpu.memory_space<vmem>>
          %dma_start3A_80 = tpu.memref_squeeze %dma_start3A_79 : memref<1x1x112xi32, #tpu.memory_space<vmem>> -> memref<112xi32, #tpu.memory_space<vmem>>
          %dma_start3A_81 = arith.constant 0 : i32
          %dma_start3A_82 = arith.constant 0 : i32
          %dma_start3A_83 = tpu.memref_slice %arg2[%dma_start3A_81, %dma_start3A_82] : memref<10112x128xf32, #tpu.memory_space<hbm>> -> memref<10112x128xf32, #tpu.memory_space<hbm>>
          tpu.enqueue_indirect_dma source(%dma_start3A_83 : memref<10112x128xf32, #tpu.memory_space<hbm>>) target(%arg7 : memref<112x128xf32, #tpu.memory_space<vmem>>) offsets(%dma_start3A_80 : memref<112xi32, #tpu.memory_space<vmem>>) semaphore(%arg10 : memref<!tpu.dma_semaphore, #tpu.memory_space<semaphore_mem>>)
        } else {
        }
        %add3A_72 = arith.constant 1 : i32
        %add3A_73 = arith.addi %add3A_43, %add3A_72 : i32
        %run_scoped3A_74 = arith.constant 1 : i32
        "tpu.region"() ({
          %run_scoped3A_75 = tpu.sem_alloc : memref<!tpu.dma_semaphore, #tpu.memory_space<semaphore_mem>>
          %dma_start3A_76 = arith.constant 0 : i32
          %dma_start3A_77 = tpu.memref_slice %arg6[%add3A_73, %run_scoped3A_74, %dma_start3A_76] : memref<4x2x112xi32, #tpu.memory_space<vmem>> -> memref<1x1x112xi32, #tpu.memory_space<vmem>>
          %dma_start3A_78 = tpu.memref_squeeze %dma_start3A_77 : memref<1x1x112xi32, #tpu.memory_space<vmem>> -> memref<112xi32, #tpu.memory_space<vmem>>
          %dma_start3A_79 = arith.constant 0 : i32
          %dma_start3A_80 = arith.constant 0 : i32
          %dma_start3A_81 = tpu.memref_slice %arg9[%dma_start3A_79, %dma_start3A_80] : memref<10112x128xf32, #tpu.memory_space<vmem_shared>> -> memref<10112x128xf32, #tpu.memory_space<vmem_shared>>
          tpu.enqueue_indirect_dma source(%arg8 : memref<112x128xf32, #tpu.memory_space<vmem>>) target(%dma_start3A_81 : memref<10112x128xf32, #tpu.memory_space<vmem_shared>>) offsets(%dma_start3A_78 : memref<112xi32, #tpu.memory_space<vmem>>) semaphore(%run_scoped3A_75 : memref<!tpu.dma_semaphore, #tpu.memory_space<semaphore_mem>>) {add = true}
          %dma_wait3A_82 = arith.constant 0 : i32
          %dma_wait3A_83 = tpu.memref_slice %arg6[%add3A_73, %run_scoped3A_74, %dma_wait3A_82] : memref<4x2x112xi32, #tpu.memory_space<vmem>> -> memref<1x1x112xi32, #tpu.memory_space<vmem>>
          %dma_wait3A_84 = tpu.memref_squeeze %dma_wait3A_83 : memref<1x1x112xi32, #tpu.memory_space<vmem>> -> memref<112xi32, #tpu.memory_space<vmem>>
          %dma_wait3A_85 = arith.constant 0 : i32
          %dma_wait3A_86 = arith.constant 0 : i32
          %dma_wait3A_87 = tpu.memref_slice %arg9[%dma_wait3A_85, %dma_wait3A_86] : memref<10112x128xf32, #tpu.memory_space<vmem_shared>> -> memref<10112x128xf32, #tpu.memory_space<vmem_shared>>
          tpu.wait_indirect_dma semaphore(%run_scoped3A_75 : memref<!tpu.dma_semaphore, #tpu.memory_space<semaphore_mem>>) src(%arg8 : memref<112x128xf32, #tpu.memory_space<vmem>>) dst(%dma_wait3A_87 : memref<10112x128xf32, #tpu.memory_space<vmem_shared>>)
          tpu.yield
        }) : () -> ()
      }
      %scan3A_38 = arith.constant 2 : i32
    }
    %while3A_22 = arith.constant 1 : i32
    scf.for %while3A_24 = %while3A_20 to %while3A_16 step %while3A_22  : i32 {
      %mul3A_25 = arith.muli %while3A_24, %while3A : i32
      %add3A_26 = arith.addi %while3A_13, %mul3A_25 : i32
      %add3A_27 = arith.addi %mul3A_2, %add3A_26 : i32
      "tpu.region"() ({
        %run_scoped3A = tpu.sem_alloc : memref<!tpu.dma_semaphore, #tpu.memory_space<semaphore_mem>>
        %dma_start3A_39 = arith.constant 0 : i32
        %dma_start3A_40 = arith.constant 0 : i32
        %dma_start3A_41 = arith.constant 0 : i32
        %dma_start3A_42 = tpu.memref_slice %arg3[%arg1, %add3A_27, %dma_start3A_39, %dma_start3A_40, %dma_start3A_41] : memref<16x45x4x2x112xi32, #tpu.memory_space<hbm>> -> memref<1x1x4x2x112xi32, #tpu.memory_space<hbm>>
        %dma_start3A_43 = tpu.memref_squeeze %dma_start3A_42 : memref<1x1x4x2x112xi32, #tpu.memory_space<hbm>> -> memref<4x2x112xi32, #tpu.memory_space<hbm>>
        %dma_start3A_44 = arith.constant 0 : i32
        %dma_start3A_45 = arith.constant 0 : i32
        %dma_start3A_46 = arith.constant 0 : i32
        %dma_start3A_47 = tpu.memref_slice %arg3[%arg1, %add3A_27, %dma_start3A_44, %dma_start3A_45, %dma_start3A_46] : memref<16x45x4x2x112xi32, #tpu.memory_space<hbm>> -> memref<1x1x4x2x112xi32, #tpu.memory_space<hbm>>
        %dma_start3A_48 = tpu.memref_squeeze %dma_start3A_47 : memref<1x1x4x2x112xi32, #tpu.memory_space<hbm>> -> memref<4x2x112xi32, #tpu.memory_space<hbm>>
        tpu.enqueue_dma source(%dma_start3A_48 : memref<4x2x112xi32, #tpu.memory_space<hbm>>) target(%arg6 : memref<4x2x112xi32, #tpu.memory_space<vmem>>) target_semaphore(%run_scoped3A : memref<!tpu.dma_semaphore, #tpu.memory_space<semaphore_mem>>)
        %dma_wait3A = arith.constant 0 : i32
        %dma_wait3A_49 = arith.constant 0 : i32
        %dma_wait3A_50 = arith.constant 0 : i32
        %dma_wait3A_51 = tpu.memref_slice %arg3[%arg1, %add3A_27, %dma_wait3A, %dma_wait3A_49, %dma_wait3A_50] : memref<16x45x4x2x112xi32, #tpu.memory_space<hbm>> -> memref<1x1x4x2x112xi32, #tpu.memory_space<hbm>>
        %dma_wait3A_52 = tpu.memref_squeeze %dma_wait3A_51 : memref<1x1x4x2x112xi32, #tpu.memory_space<hbm>> -> memref<4x2x112xi32, #tpu.memory_space<hbm>>
        %dma_wait3A_53 = arith.constant 0 : i32
        %dma_wait3A_54 = arith.constant 0 : i32
        %dma_wait3A_55 = arith.constant 0 : i32
        %dma_wait3A_56 = tpu.memref_slice %arg3[%arg1, %add3A_27, %dma_wait3A_53, %dma_wait3A_54, %dma_wait3A_55] : memref<16x45x4x2x112xi32, #tpu.memory_space<hbm>> -> memref<1x1x4x2x112xi32, #tpu.memory_space<hbm>>
        %dma_wait3A_57 = tpu.memref_squeeze %dma_wait3A_56 : memref<1x1x4x2x112xi32, #tpu.memory_space<hbm>> -> memref<4x2x112xi32, #tpu.memory_space<hbm>>
        tpu.wait_dma2 semaphore(%run_scoped3A : memref<!tpu.dma_semaphore, #tpu.memory_space<semaphore_mem>>) src(%dma_wait3A_57 : memref<4x2x112xi32, #tpu.memory_space<hbm>>) dst(%arg6 : memref<4x2x112xi32, #tpu.memory_space<vmem>>)
        tpu.yield
      }) : () -> ()
      %dma_start3A = arith.constant 0 : i32
      %dma_start3A_28 = arith.constant 0 : i32
      %dma_start3A_29 = arith.constant 0 : i32
      %dma_start3A_30 = tpu.memref_slice %arg6[%dma_start3A, %dma_start3A_28, %dma_start3A_29] : memref<4x2x112xi32, #tpu.memory_space<vmem>> -> memref<1x1x112xi32, #tpu.memory_space<vmem>>
      %dma_start3A_31 = tpu.memref_squeeze %dma_start3A_30 : memref<1x1x112xi32, #tpu.memory_space<vmem>> -> memref<112xi32, #tpu.memory_space<vmem>>
      %dma_start3A_32 = arith.constant 0 : i32
      %dma_start3A_33 = arith.constant 0 : i32
      %dma_start3A_34 = tpu.memref_slice %arg2[%dma_start3A_32, %dma_start3A_33] : memref<10112x128xf32, #tpu.memory_space<hbm>> -> memref<10112x128xf32, #tpu.memory_space<hbm>>
      tpu.enqueue_indirect_dma source(%dma_start3A_34 : memref<10112x128xf32, #tpu.memory_space<hbm>>) target(%arg7 : memref<112x128xf32, #tpu.memory_space<vmem>>) offsets(%dma_start3A_31 : memref<112xi32, #tpu.memory_space<vmem>>) semaphore(%arg10 : memref<!tpu.dma_semaphore, #tpu.memory_space<semaphore_mem>>)
      %scan3A = arith.constant 0 : i32
      %scan3A_35 = arith.constant 2 : i32
      %scan3A_36 = arith.addi %scan3A, %scan3A_35 : i32
      %scan3A_37 = arith.constant 1 : i32
      scf.for %scan3A_39 = %scan3A to %scan3A_36 step %scan3A_37  : i32 {
        %mul3A_40 = arith.constant 2 : i32
        %mul3A_41 = arith.muli %scan3A_39, %mul3A_40 : i32
        %add3A_42 = arith.constant 0 : i32
        %add3A_43 = arith.addi %add3A_42, %mul3A_41 : i32
        %dma_wait3A = arith.constant 0 : i32
        %dma_wait3A_44 = arith.constant 0 : i32
        %dma_wait3A_45 = tpu.memref_slice %arg6[%add3A_43, %dma_wait3A, %dma_wait3A_44] : memref<4x2x112xi32, #tpu.memory_space<vmem>> -> memref<1x1x112xi32, #tpu.memory_space<vmem>>
        %dma_wait3A_46 = tpu.memref_squeeze %dma_wait3A_45 : memref<1x1x112xi32, #tpu.memory_space<vmem>> -> memref<112xi32, #tpu.memory_space<vmem>>
        %dma_wait3A_47 = arith.constant 0 : i32
        %dma_wait3A_48 = arith.constant 0 : i32
        %dma_wait3A_49 = tpu.memref_slice %arg2[%dma_wait3A_47, %dma_wait3A_48] : memref<10112x128xf32, #tpu.memory_space<hbm>> -> memref<10112x128xf32, #tpu.memory_space<hbm>>
        tpu.wait_indirect_dma semaphore(%arg10 : memref<!tpu.dma_semaphore, #tpu.memory_space<semaphore_mem>>) src(%dma_wait3A_49 : memref<10112x128xf32, #tpu.memory_space<hbm>>) dst(%arg7 : memref<112x128xf32, #tpu.memory_space<vmem>>)
        %add3A_50 = arith.constant 1 : i32
        %add3A_51 = arith.addi %add3A_43, %add3A_50 : i32
        %dma_start3A_52 = arith.constant 0 : i32
        %dma_start3A_53 = arith.constant 0 : i32
        %dma_start3A_54 = tpu.memref_slice %arg6[%add3A_51, %dma_start3A_52, %dma_start3A_53] : memref<4x2x112xi32, #tpu.memory_space<vmem>> -> memref<1x1x112xi32, #tpu.memory_space<vmem>>
        %dma_start3A_55 = tpu.memref_squeeze %dma_start3A_54 : memref<1x1x112xi32, #tpu.memory_space<vmem>> -> memref<112xi32, #tpu.memory_space<vmem>>
        %dma_start3A_56 = arith.constant 0 : i32
        %dma_start3A_57 = arith.constant 0 : i32
        %dma_start3A_58 = tpu.memref_slice %arg2[%dma_start3A_56, %dma_start3A_57] : memref<10112x128xf32, #tpu.memory_space<hbm>> -> memref<10112x128xf32, #tpu.memory_space<hbm>>
        tpu.enqueue_indirect_dma source(%dma_start3A_58 : memref<10112x128xf32, #tpu.memory_space<hbm>>) target(%arg8 : memref<112x128xf32, #tpu.memory_space<vmem>>) offsets(%dma_start3A_55 : memref<112xi32, #tpu.memory_space<vmem>>) semaphore(%arg11 : memref<!tpu.dma_semaphore, #tpu.memory_space<semaphore_mem>>)
        %run_scoped3A = arith.constant 1 : i32
        "tpu.region"() ({
          %run_scoped3A_75 = tpu.sem_alloc : memref<!tpu.dma_semaphore, #tpu.memory_space<semaphore_mem>>
          %dma_start3A_76 = arith.constant 0 : i32
          %dma_start3A_77 = tpu.memref_slice %arg6[%add3A_43, %run_scoped3A, %dma_start3A_76] : memref<4x2x112xi32, #tpu.memory_space<vmem>> -> memref<1x1x112xi32, #tpu.memory_space<vmem>>
          %dma_start3A_78 = tpu.memref_squeeze %dma_start3A_77 : memref<1x1x112xi32, #tpu.memory_space<vmem>> -> memref<112xi32, #tpu.memory_space<vmem>>
          %dma_start3A_79 = arith.constant 0 : i32
          %dma_start3A_80 = arith.constant 0 : i32
          %dma_start3A_81 = tpu.memref_slice %arg9[%dma_start3A_79, %dma_start3A_80] : memref<10112x128xf32, #tpu.memory_space<vmem_shared>> -> memref<10112x128xf32, #tpu.memory_space<vmem_shared>>
          tpu.enqueue_indirect_dma source(%arg7 : memref<112x128xf32, #tpu.memory_space<vmem>>) target(%dma_start3A_81 : memref<10112x128xf32, #tpu.memory_space<vmem_shared>>) offsets(%dma_start3A_78 : memref<112xi32, #tpu.memory_space<vmem>>) semaphore(%run_scoped3A_75 : memref<!tpu.dma_semaphore, #tpu.memory_space<semaphore_mem>>) {add = true}
          %dma_wait3A_82 = arith.constant 0 : i32
          %dma_wait3A_83 = tpu.memref_slice %arg6[%add3A_43, %run_scoped3A, %dma_wait3A_82] : memref<4x2x112xi32, #tpu.memory_space<vmem>> -> memref<1x1x112xi32, #tpu.memory_space<vmem>>
          %dma_wait3A_84 = tpu.memref_squeeze %dma_wait3A_83 : memref<1x1x112xi32, #tpu.memory_space<vmem>> -> memref<112xi32, #tpu.memory_space<vmem>>
          %dma_wait3A_85 = arith.constant 0 : i32
          %dma_wait3A_86 = arith.constant 0 : i32
          %dma_wait3A_87 = tpu.memref_slice %arg9[%dma_wait3A_85, %dma_wait3A_86] : memref<10112x128xf32, #tpu.memory_space<vmem_shared>> -> memref<10112x128xf32, #tpu.memory_space<vmem_shared>>
          tpu.wait_indirect_dma semaphore(%run_scoped3A_75 : memref<!tpu.dma_semaphore, #tpu.memory_space<semaphore_mem>>) src(%arg7 : memref<112x128xf32, #tpu.memory_space<vmem>>) dst(%dma_wait3A_87 : memref<10112x128xf32, #tpu.memory_space<vmem_shared>>)
          tpu.yield
        }) : () -> ()
        %add3A_59 = arith.constant 1 : i32
        %add3A_60 = arith.addi %add3A_43, %add3A_59 : i32
        %dma_wait3A_61 = arith.constant 0 : i32
        %dma_wait3A_62 = arith.constant 0 : i32
        %dma_wait3A_63 = tpu.memref_slice %arg6[%add3A_60, %dma_wait3A_61, %dma_wait3A_62] : memref<4x2x112xi32, #tpu.memory_space<vmem>> -> memref<1x1x112xi32, #tpu.memory_space<vmem>>
        %dma_wait3A_64 = tpu.memref_squeeze %dma_wait3A_63 : memref<1x1x112xi32, #tpu.memory_space<vmem>> -> memref<112xi32, #tpu.memory_space<vmem>>
        %dma_wait3A_65 = arith.constant 0 : i32
        %dma_wait3A_66 = arith.constant 0 : i32
        %dma_wait3A_67 = tpu.memref_slice %arg2[%dma_wait3A_65, %dma_wait3A_66] : memref<10112x128xf32, #tpu.memory_space<hbm>> -> memref<10112x128xf32, #tpu.memory_space<hbm>>
        tpu.wait_indirect_dma semaphore(%arg11 : memref<!tpu.dma_semaphore, #tpu.memory_space<semaphore_mem>>) src(%dma_wait3A_67 : memref<10112x128xf32, #tpu.memory_space<hbm>>) dst(%arg8 : memref<112x128xf32, #tpu.memory_space<vmem>>)
        %add3A_68 = arith.constant 2 : i32
        %add3A_69 = arith.addi %add3A_43, %add3A_68 : i32
        %lt3A = arith.constant 4 : i32
        %lt3A_70 = arith.cmpi slt, %add3A_69, %lt3A : i32
        %convert_element_type3A = arith.extui %lt3A_70 : i1 to i32
        %cond3A = arith.constant 0 : i32
        %cond3A_71 = arith.cmpi ne, %convert_element_type3A, %cond3A : i32
        scf.if %cond3A_71 {
          %add3A_75 = arith.constant 2 : i32
          %add3A_76 = arith.addi %add3A_43, %add3A_75 : i32
          %dma_start3A_77 = arith.constant 0 : i32
          %dma_start3A_78 = arith.constant 0 : i32
          %dma_start3A_79 = tpu.memref_slice %arg6[%add3A_76, %dma_start3A_77, %dma_start3A_78] : memref<4x2x112xi32, #tpu.memory_space<vmem>> -> memref<1x1x112xi32, #tpu.memory_space<vmem>>
          %dma_start3A_80 = tpu.memref_squeeze %dma_start3A_79 : memref<1x1x112xi32, #tpu.memory_space<vmem>> -> memref<112xi32, #tpu.memory_space<vmem>>
          %dma_start3A_81 = arith.constant 0 : i32
          %dma_start3A_82 = arith.constant 0 : i32
          %dma_start3A_83 = tpu.memref_slice %arg2[%dma_start3A_81, %dma_start3A_82] : memref<10112x128xf32, #tpu.memory_space<hbm>> -> memref<10112x128xf32, #tpu.memory_space<hbm>>
          tpu.enqueue_indirect_dma source(%dma_start3A_83 : memref<10112x128xf32, #tpu.memory_space<hbm>>) target(%arg7 : memref<112x128xf32, #tpu.memory_space<vmem>>) offsets(%dma_start3A_80 : memref<112xi32, #tpu.memory_space<vmem>>) semaphore(%arg10 : memref<!tpu.dma_semaphore, #tpu.memory_space<semaphore_mem>>)
        } else {
        }
        %add3A_72 = arith.constant 1 : i32
        %add3A_73 = arith.addi %add3A_43, %add3A_72 : i32
        %run_scoped3A_74 = arith.constant 1 : i32
        "tpu.region"() ({
          %run_scoped3A_75 = tpu.sem_alloc : memref<!tpu.dma_semaphore, #tpu.memory_space<semaphore_mem>>
          %dma_start3A_76 = arith.constant 0 : i32
          %dma_start3A_77 = tpu.memref_slice %arg6[%add3A_73, %run_scoped3A_74, %dma_start3A_76] : memref<4x2x112xi32, #tpu.memory_space<vmem>> -> memref<1x1x112xi32, #tpu.memory_space<vmem>>
          %dma_start3A_78 = tpu.memref_squeeze %dma_start3A_77 : memref<1x1x112xi32, #tpu.memory_space<vmem>> -> memref<112xi32, #tpu.memory_space<vmem>>
          %dma_start3A_79 = arith.constant 0 : i32
          %dma_start3A_80 = arith.constant 0 : i32
          %dma_start3A_81 = tpu.memref_slice %arg9[%dma_start3A_79, %dma_start3A_80] : memref<10112x128xf32, #tpu.memory_space<vmem_shared>> -> memref<10112x128xf32, #tpu.memory_space<vmem_shared>>
          tpu.enqueue_indirect_dma source(%arg8 : memref<112x128xf32, #tpu.memory_space<vmem>>) target(%dma_start3A_81 : memref<10112x128xf32, #tpu.memory_space<vmem_shared>>) offsets(%dma_start3A_78 : memref<112xi32, #tpu.memory_space<vmem>>) semaphore(%run_scoped3A_75 : memref<!tpu.dma_semaphore, #tpu.memory_space<semaphore_mem>>) {add = true}
          %dma_wait3A_82 = arith.constant 0 : i32
          %dma_wait3A_83 = tpu.memref_slice %arg6[%add3A_73, %run_scoped3A_74, %dma_wait3A_82] : memref<4x2x112xi32, #tpu.memory_space<vmem>> -> memref<1x1x112xi32, #tpu.memory_space<vmem>>
          %dma_wait3A_84 = tpu.memref_squeeze %dma_wait3A_83 : memref<1x1x112xi32, #tpu.memory_space<vmem>> -> memref<112xi32, #tpu.memory_space<vmem>>
          %dma_wait3A_85 = arith.constant 0 : i32
          %dma_wait3A_86 = arith.constant 0 : i32
          %dma_wait3A_87 = tpu.memref_slice %arg9[%dma_wait3A_85, %dma_wait3A_86] : memref<10112x128xf32, #tpu.memory_space<vmem_shared>> -> memref<10112x128xf32, #tpu.memory_space<vmem_shared>>
          tpu.wait_indirect_dma semaphore(%run_scoped3A_75 : memref<!tpu.dma_semaphore, #tpu.memory_space<semaphore_mem>>) src(%arg8 : memref<112x128xf32, #tpu.memory_space<vmem>>) dst(%dma_wait3A_87 : memref<10112x128xf32, #tpu.memory_space<vmem_shared>>)
          tpu.yield
        }) : () -> ()
      }
      %scan3A_38 = arith.constant 2 : i32
    }
    %barrier3A_23 = arith.constant 0 : index
    tpu.barrier barrier_id(%barrier3A_23)
    "tpu.region"() ({
      %run_scoped3A = tpu.sem_alloc : memref<!tpu.dma_semaphore, #tpu.memory_space<semaphore_mem>>
      %dma_start3A = arith.constant 0 : i32
      %dma_start3A_24 = tpu.memref_slice %arg5[%arg0, %mul3A_0, %dma_start3A] : memref<2x10112x128xf32, #tpu.memory_space<hbm>> -> memref<1x632x128xf32, #tpu.memory_space<hbm>>
      %dma_start3A_25 = tpu.memref_squeeze %dma_start3A_24 : memref<1x632x128xf32, #tpu.memory_space<hbm>> -> memref<632x128xf32, #tpu.memory_space<hbm>>
      %dma_start3A_26 = arith.constant 0 : i32
      %dma_start3A_27 = tpu.memref_slice %arg9[%mul3A_0, %dma_start3A_26] : memref<10112x128xf32, #tpu.memory_space<vmem_shared>> -> memref<632x128xf32, #tpu.memory_space<vmem_shared>>
      tpu.enqueue_dma source(%dma_start3A_27 : memref<632x128xf32, #tpu.memory_space<vmem_shared>>) target(%dma_start3A_25 : memref<632x128xf32, #tpu.memory_space<hbm>>) target_semaphore(%run_scoped3A : memref<!tpu.dma_semaphore, #tpu.memory_space<semaphore_mem>>)
      %dma_wait3A = arith.constant 0 : i32
      %dma_wait3A_28 = tpu.memref_slice %arg5[%arg0, %mul3A_0, %dma_wait3A] : memref<2x10112x128xf32, #tpu.memory_space<hbm>> -> memref<1x632x128xf32, #tpu.memory_space<hbm>>
      %dma_wait3A_29 = tpu.memref_squeeze %dma_wait3A_28 : memref<1x632x128xf32, #tpu.memory_space<hbm>> -> memref<632x128xf32, #tpu.memory_space<hbm>>
      %dma_wait3A_30 = arith.constant 0 : i32
      %dma_wait3A_31 = tpu.memref_slice %arg9[%mul3A_0, %dma_wait3A_30] : memref<10112x128xf32, #tpu.memory_space<vmem_shared>> -> memref<632x128xf32, #tpu.memory_space<vmem_shared>>
      tpu.wait_dma2 semaphore(%run_scoped3A : memref<!tpu.dma_semaphore, #tpu.memory_space<semaphore_mem>>) src(%dma_wait3A_31 : memref<632x128xf32, #tpu.memory_space<vmem_shared>>) dst(%dma_wait3A_29 : memref<632x128xf32, #tpu.memory_space<hbm>>)
      tpu.yield
    }) : () -> ()
    return
  }
}

#map = affine_map<(d0, d1) -> (0, 0)>
#map1 = affine_map<(d0, d1) -> (0, 0, 0, 0, 0)>
#map2 = affine_map<(d0, d1) -> (0, 0, 0)>
module attributes {stable_mosaic.version = 14 : i64} {
  func.func @msg_kernel(%arg0: i32, %arg1: i32, %arg2: memref<10112x128xf32, #tpu.memory_space<hbm>>, %arg3: memref<16x45x4x2x112xi32, #tpu.memory_space<hbm>>, %arg4: memref<10112x128xf32, #tpu.memory_space<hbm>>, %arg5: memref<2x10112x128xf32, #tpu.memory_space<hbm>>, %arg6: memref<4x2x112xi32, #tpu.memory_space<vmem>>, %arg7: memref<112x128xf32, #tpu.memory_space<vmem>>, %arg8: memref<112x128xf32, #tpu.memory_space<vmem>>, %arg9: memref<10112x128xf32, #tpu.memory_space<vmem_shared>>, %arg10: memref<!tpu.dma_semaphore, #tpu.memory_space<semaphore_mem>>, %arg11: memref<!tpu.dma_semaphore, #tpu.memory_space<semaphore_mem>>) attributes {dimension_semantics = [#tpu.dimension_semantics<core_parallel>, #tpu.dimension_semantics<subcore_parallel>], iteration_bounds = array<i64: 2, 16>, scalar_prefetch = 0 : i64, scratch_operands = 6 : i64, tpu.core_type = #tpu.core_type<sc_vector_subcore>, window_params = [{transform_indices = #map}, {transform_indices = #map1}, {transform_indices = #map}, {transform_indices = #map2}]} {
    %mul3A = arith.constant 632 : i32
    %mul3A_0 = arith.muli %arg1, %mul3A : i32
    %mul3A_1 = arith.constant 22 : i32
    %mul3A_2 = arith.muli %arg0, %mul3A_1 : i32
    %mul3A_3 = arith.constant 23 : i32
    %mul3A_4 = arith.muli %arg0, %mul3A_3 : i32
    %add3A = arith.constant 22 : i32
    %add3A_5 = arith.addi %add3A, %mul3A_4 : i32
    "tpu.region"() ({
      %run_scoped3A = tpu.sem_alloc : memref<!tpu.dma_semaphore, #tpu.memory_space<semaphore_mem>>
      %dma_start3A = arith.constant 0 : i32
      %dma_start3A_24 = tpu.memref_slice %arg9[%mul3A_0, %dma_start3A] : memref<10112x128xf32, #tpu.memory_space<vmem_shared>> -> memref<632x128xf32, #tpu.memory_space<vmem_shared>>
      %dma_start3A_25 = arith.constant 0 : i32
      %dma_start3A_26 = tpu.memref_slice %arg4[%mul3A_0, %dma_start3A_25] : memref<10112x128xf32, #tpu.memory_space<hbm>> -> memref<632x128xf32, #tpu.memory_space<hbm>>
      tpu.enqueue_dma source(%dma_start3A_26 : memref<632x128xf32, #tpu.memory_space<hbm>>) target(%dma_start3A_24 : memref<632x128xf32, #tpu.memory_space<vmem_shared>>) target_semaphore(%run_scoped3A : memref<!tpu.dma_semaphore, #tpu.memory_space<semaphore_mem>>)
      %dma_wait3A = arith.constant 0 : i32
      %dma_wait3A_27 = tpu.memref_slice %arg9[%mul3A_0, %dma_wait3A] : memref<10112x128xf32, #tpu.memory_space<vmem_shared>> -> memref<632x128xf32, #tpu.memory_space<vmem_shared>>
      %dma_wait3A_28 = arith.constant 0 : i32
      %dma_wait3A_29 = tpu.memref_slice %arg4[%mul3A_0, %dma_wait3A_28] : memref<10112x128xf32, #tpu.memory_space<hbm>> -> memref<632x128xf32, #tpu.memory_space<hbm>>
      tpu.wait_dma2 semaphore(%run_scoped3A : memref<!tpu.dma_semaphore, #tpu.memory_space<semaphore_mem>>) src(%dma_wait3A_29 : memref<632x128xf32, #tpu.memory_space<hbm>>) dst(%dma_wait3A_27 : memref<632x128xf32, #tpu.memory_space<vmem_shared>>)
      tpu.yield
    }) : () -> ()
    %barrier3A = arith.constant 0 : index
    tpu.barrier barrier_id(%barrier3A)
    %sub3A = arith.subi %add3A_5, %mul3A_2 : i32
    %sub3A_6 = arith.constant 0 : i32
    %sub3A_7 = arith.subi %sub3A, %sub3A_6 : i32
    %sub3A_8 = arith.constant 1 : i32
    %sub3A_9 = arith.constant 1 : i32
    %sub3A_10 = arith.subi %sub3A_8, %sub3A_9 : i32
    %add3A_11 = arith.addi %sub3A_7, %sub3A_10 : i32
    %div3A = arith.constant 1 : i32
    %div3A_12 = arith.divsi %add3A_11, %div3A : i32
    %while3A = arith.constant 1 : i32
    %while3A_13 = arith.constant 0 : i32
    %while3A_14 = arith.constant 0 : i32
    %while3A_15 = arith.subi %div3A_12, %while3A_14 : i32
    %while3A_16 = arith.addi %while3A_14, %while3A_15 : i32
    %while3A_17 = arith.constant 1 : i32
    %while3A_18 = arith.divsi %while3A_15, %while3A_17 : i32
    %while3A_19 = arith.muli %while3A_18, %while3A_17 : i32
    %while3A_20 = arith.addi %while3A_14, %while3A_19 : i32
    %while3A_21 = arith.constant 1 : i32
    scf.for %while3A_24 = %while3A_14 to %while3A_20 step %while3A_21  : i32 {
      %mul3A_25 = arith.muli %while3A_24, %while3A : i32
      %add3A_26 = arith.addi %while3A_13, %mul3A_25 : i32
      %add3A_27 = arith.addi %mul3A_2, %add3A_26 : i32
      "tpu.region"() ({
        %run_scoped3A = tpu.sem_alloc : memref<!tpu.dma_semaphore, #tpu.memory_space<semaphore_mem>>
        %dma_start3A_39 = arith.constant 0 : i32
        %dma_start3A_40 = arith.constant 0 : i32
        %dma_start3A_41 = arith.constant 0 : i32
        %dma_start3A_42 = tpu.memref_slice %arg3[%arg1, %add3A_27, %dma_start3A_39, %dma_start3A_40, %dma_start3A_41] : memref<16x45x4x2x112xi32, #tpu.memory_space<hbm>> -> memref<1x1x4x2x112xi32, #tpu.memory_space<hbm>>
        %dma_start3A_43 = tpu.memref_squeeze %dma_start3A_42 : memref<1x1x4x2x112xi32, #tpu.memory_space<hbm>> -> memref<4x2x112xi32, #tpu.memory_space<hbm>>
        %dma_start3A_44 = arith.constant 0 : i32
        %dma_start3A_45 = arith.constant 0 : i32
        %dma_start3A_46 = arith.constant 0 : i32
        %dma_start3A_47 = tpu.memref_slice %arg3[%arg1, %add3A_27, %dma_start3A_44, %dma_start3A_45, %dma_start3A_46] : memref<16x45x4x2x112xi32, #tpu.memory_space<hbm>> -> memref<1x1x4x2x112xi32, #tpu.memory_space<hbm>>
        %dma_start3A_48 = tpu.memref_squeeze %dma_start3A_47 : memref<1x1x4x2x112xi32, #tpu.memory_space<hbm>> -> memref<4x2x112xi32, #tpu.memory_space<hbm>>
        tpu.enqueue_dma source(%dma_start3A_48 : memref<4x2x112xi32, #tpu.memory_space<hbm>>) target(%arg6 : memref<4x2x112xi32, #tpu.memory_space<vmem>>) target_semaphore(%run_scoped3A : memref<!tpu.dma_semaphore, #tpu.memory_space<semaphore_mem>>)
        %dma_wait3A = arith.constant 0 : i32
        %dma_wait3A_49 = arith.constant 0 : i32
        %dma_wait3A_50 = arith.constant 0 : i32
        %dma_wait3A_51 = tpu.memref_slice %arg3[%arg1, %add3A_27, %dma_wait3A, %dma_wait3A_49, %dma_wait3A_50] : memref<16x45x4x2x112xi32, #tpu.memory_space<hbm>> -> memref<1x1x4x2x112xi32, #tpu.memory_space<hbm>>
        %dma_wait3A_52 = tpu.memref_squeeze %dma_wait3A_51 : memref<1x1x4x2x112xi32, #tpu.memory_space<hbm>> -> memref<4x2x112xi32, #tpu.memory_space<hbm>>
        %dma_wait3A_53 = arith.constant 0 : i32
        %dma_wait3A_54 = arith.constant 0 : i32
        %dma_wait3A_55 = arith.constant 0 : i32
        %dma_wait3A_56 = tpu.memref_slice %arg3[%arg1, %add3A_27, %dma_wait3A_53, %dma_wait3A_54, %dma_wait3A_55] : memref<16x45x4x2x112xi32, #tpu.memory_space<hbm>> -> memref<1x1x4x2x112xi32, #tpu.memory_space<hbm>>
        %dma_wait3A_57 = tpu.memref_squeeze %dma_wait3A_56 : memref<1x1x4x2x112xi32, #tpu.memory_space<hbm>> -> memref<4x2x112xi32, #tpu.memory_space<hbm>>
        tpu.wait_dma2 semaphore(%run_scoped3A : memref<!tpu.dma_semaphore, #tpu.memory_space<semaphore_mem>>) src(%dma_wait3A_57 : memref<4x2x112xi32, #tpu.memory_space<hbm>>) dst(%arg6 : memref<4x2x112xi32, #tpu.memory_space<vmem>>)
        tpu.yield
      }) : () -> ()
      %dma_start3A = arith.constant 0 : i32
      %dma_start3A_28 = arith.constant 0 : i32
      %dma_start3A_29 = arith.constant 0 : i32
      %dma_start3A_30 = tpu.memref_slice %arg6[%dma_start3A, %dma_start3A_28, %dma_start3A_29] : memref<4x2x112xi32, #tpu.memory_space<vmem>> -> memref<1x1x112xi32, #tpu.memory_space<vmem>>
      %dma_start3A_31 = tpu.memref_squeeze %dma_start3A_30 : memref<1x1x112xi32, #tpu.memory_space<vmem>> -> memref<112xi32, #tpu.memory_space<vmem>>
      %dma_start3A_32 = arith.constant 0 : i32
      %dma_start3A_33 = arith.constant 0 : i32
      %dma_start3A_34 = tpu.memref_slice %arg2[%dma_start3A_32, %dma_start3A_33] : memref<10112x128xf32, #tpu.memory_space<hbm>> -> memref<10112x128xf32, #tpu.memory_space<hbm>>
      tpu.enqueue_indirect_dma source(%dma_start3A_34 : memref<10112x128xf32, #tpu.memory_space<hbm>>) target(%arg7 : memref<112x128xf32, #tpu.memory_space<vmem>>) offsets(%dma_start3A_31 : memref<112xi32, #tpu.memory_space<vmem>>) semaphore(%arg10 : memref<!tpu.dma_semaphore, #tpu.memory_space<semaphore_mem>>)
      %scan3A = arith.constant 0 : i32
      %scan3A_35 = arith.constant 2 : i32
      %scan3A_36 = arith.addi %scan3A, %scan3A_35 : i32
      %scan3A_37 = arith.constant 1 : i32
      scf.for %scan3A_39 = %scan3A to %scan3A_36 step %scan3A_37  : i32 {
        %mul3A_40 = arith.constant 2 : i32
        %mul3A_41 = arith.muli %scan3A_39, %mul3A_40 : i32
        %add3A_42 = arith.constant 0 : i32
        %add3A_43 = arith.addi %add3A_42, %mul3A_41 : i32
        %dma_wait3A = arith.constant 0 : i32
        %dma_wait3A_44 = arith.constant 0 : i32
        %dma_wait3A_45 = tpu.memref_slice %arg6[%add3A_43, %dma_wait3A, %dma_wait3A_44] : memref<4x2x112xi32, #tpu.memory_space<vmem>> -> memref<1x1x112xi32, #tpu.memory_space<vmem>>
        %dma_wait3A_46 = tpu.memref_squeeze %dma_wait3A_45 : memref<1x1x112xi32, #tpu.memory_space<vmem>> -> memref<112xi32, #tpu.memory_space<vmem>>
        %dma_wait3A_47 = arith.constant 0 : i32
        %dma_wait3A_48 = arith.constant 0 : i32
        %dma_wait3A_49 = tpu.memref_slice %arg2[%dma_wait3A_47, %dma_wait3A_48] : memref<10112x128xf32, #tpu.memory_space<hbm>> -> memref<10112x128xf32, #tpu.memory_space<hbm>>
        tpu.wait_indirect_dma semaphore(%arg10 : memref<!tpu.dma_semaphore, #tpu.memory_space<semaphore_mem>>) src(%dma_wait3A_49 : memref<10112x128xf32, #tpu.memory_space<hbm>>) dst(%arg7 : memref<112x128xf32, #tpu.memory_space<vmem>>)
        %add3A_50 = arith.constant 1 : i32
        %add3A_51 = arith.addi %add3A_43, %add3A_50 : i32
        %dma_start3A_52 = arith.constant 0 : i32
        %dma_start3A_53 = arith.constant 0 : i32
        %dma_start3A_54 = tpu.memref_slice %arg6[%add3A_51, %dma_start3A_52, %dma_start3A_53] : memref<4x2x112xi32, #tpu.memory_space<vmem>> -> memref<1x1x112xi32, #tpu.memory_space<vmem>>
        %dma_start3A_55 = tpu.memref_squeeze %dma_start3A_54 : memref<1x1x112xi32, #tpu.memory_space<vmem>> -> memref<112xi32, #tpu.memory_space<vmem>>
        %dma_start3A_56 = arith.constant 0 : i32
        %dma_start3A_57 = arith.constant 0 : i32
        %dma_start3A_58 = tpu.memref_slice %arg2[%dma_start3A_56, %dma_start3A_57] : memref<10112x128xf32, #tpu.memory_space<hbm>> -> memref<10112x128xf32, #tpu.memory_space<hbm>>
        tpu.enqueue_indirect_dma source(%dma_start3A_58 : memref<10112x128xf32, #tpu.memory_space<hbm>>) target(%arg8 : memref<112x128xf32, #tpu.memory_space<vmem>>) offsets(%dma_start3A_55 : memref<112xi32, #tpu.memory_space<vmem>>) semaphore(%arg11 : memref<!tpu.dma_semaphore, #tpu.memory_space<semaphore_mem>>)
        %run_scoped3A = arith.constant 1 : i32
        "tpu.region"() ({
          %run_scoped3A_75 = tpu.sem_alloc : memref<!tpu.dma_semaphore, #tpu.memory_space<semaphore_mem>>
          %dma_start3A_76 = arith.constant 0 : i32
          %dma_start3A_77 = tpu.memref_slice %arg6[%add3A_43, %run_scoped3A, %dma_start3A_76] : memref<4x2x112xi32, #tpu.memory_space<vmem>> -> memref<1x1x112xi32, #tpu.memory_space<vmem>>
          %dma_start3A_78 = tpu.memref_squeeze %dma_start3A_77 : memref<1x1x112xi32, #tpu.memory_space<vmem>> -> memref<112xi32, #tpu.memory_space<vmem>>
          %dma_start3A_79 = arith.constant 0 : i32
          %dma_start3A_80 = arith.constant 0 : i32
          %dma_start3A_81 = tpu.memref_slice %arg9[%dma_start3A_79, %dma_start3A_80] : memref<10112x128xf32, #tpu.memory_space<vmem_shared>> -> memref<10112x128xf32, #tpu.memory_space<vmem_shared>>
          tpu.enqueue_indirect_dma source(%arg7 : memref<112x128xf32, #tpu.memory_space<vmem>>) target(%dma_start3A_81 : memref<10112x128xf32, #tpu.memory_space<vmem_shared>>) offsets(%dma_start3A_78 : memref<112xi32, #tpu.memory_space<vmem>>) semaphore(%run_scoped3A_75 : memref<!tpu.dma_semaphore, #tpu.memory_space<semaphore_mem>>) {add = true}
          %dma_wait3A_82 = arith.constant 0 : i32
          %dma_wait3A_83 = tpu.memref_slice %arg6[%add3A_43, %run_scoped3A, %dma_wait3A_82] : memref<4x2x112xi32, #tpu.memory_space<vmem>> -> memref<1x1x112xi32, #tpu.memory_space<vmem>>
          %dma_wait3A_84 = tpu.memref_squeeze %dma_wait3A_83 : memref<1x1x112xi32, #tpu.memory_space<vmem>> -> memref<112xi32, #tpu.memory_space<vmem>>
          %dma_wait3A_85 = arith.constant 0 : i32
          %dma_wait3A_86 = arith.constant 0 : i32
          %dma_wait3A_87 = tpu.memref_slice %arg9[%dma_wait3A_85, %dma_wait3A_86] : memref<10112x128xf32, #tpu.memory_space<vmem_shared>> -> memref<10112x128xf32, #tpu.memory_space<vmem_shared>>
          tpu.wait_indirect_dma semaphore(%run_scoped3A_75 : memref<!tpu.dma_semaphore, #tpu.memory_space<semaphore_mem>>) src(%arg7 : memref<112x128xf32, #tpu.memory_space<vmem>>) dst(%dma_wait3A_87 : memref<10112x128xf32, #tpu.memory_space<vmem_shared>>)
          tpu.yield
        }) : () -> ()
        %add3A_59 = arith.constant 1 : i32
        %add3A_60 = arith.addi %add3A_43, %add3A_59 : i32
        %dma_wait3A_61 = arith.constant 0 : i32
        %dma_wait3A_62 = arith.constant 0 : i32
        %dma_wait3A_63 = tpu.memref_slice %arg6[%add3A_60, %dma_wait3A_61, %dma_wait3A_62] : memref<4x2x112xi32, #tpu.memory_space<vmem>> -> memref<1x1x112xi32, #tpu.memory_space<vmem>>
        %dma_wait3A_64 = tpu.memref_squeeze %dma_wait3A_63 : memref<1x1x112xi32, #tpu.memory_space<vmem>> -> memref<112xi32, #tpu.memory_space<vmem>>
        %dma_wait3A_65 = arith.constant 0 : i32
        %dma_wait3A_66 = arith.constant 0 : i32
        %dma_wait3A_67 = tpu.memref_slice %arg2[%dma_wait3A_65, %dma_wait3A_66] : memref<10112x128xf32, #tpu.memory_space<hbm>> -> memref<10112x128xf32, #tpu.memory_space<hbm>>
        tpu.wait_indirect_dma semaphore(%arg11 : memref<!tpu.dma_semaphore, #tpu.memory_space<semaphore_mem>>) src(%dma_wait3A_67 : memref<10112x128xf32, #tpu.memory_space<hbm>>) dst(%arg8 : memref<112x128xf32, #tpu.memory_space<vmem>>)
        %add3A_68 = arith.constant 2 : i32
        %add3A_69 = arith.addi %add3A_43, %add3A_68 : i32
        %lt3A = arith.constant 4 : i32
        %lt3A_70 = arith.cmpi slt, %add3A_69, %lt3A : i32
        %convert_element_type3A = arith.extui %lt3A_70 : i1 to i32
        %cond3A = arith.constant 0 : i32
        %cond3A_71 = arith.cmpi ne, %convert_element_type3A, %cond3A : i32
        scf.if %cond3A_71 {
          %add3A_75 = arith.constant 2 : i32
          %add3A_76 = arith.addi %add3A_43, %add3A_75 : i32
          %dma_start3A_77 = arith.constant 0 : i32
          %dma_start3A_78 = arith.constant 0 : i32
          %dma_start3A_79 = tpu.memref_slice %arg6[%add3A_76, %dma_start3A_77, %dma_start3A_78] : memref<4x2x112xi32, #tpu.memory_space<vmem>> -> memref<1x1x112xi32, #tpu.memory_space<vmem>>
          %dma_start3A_80 = tpu.memref_squeeze %dma_start3A_79 : memref<1x1x112xi32, #tpu.memory_space<vmem>> -> memref<112xi32, #tpu.memory_space<vmem>>
          %dma_start3A_81 = arith.constant 0 : i32
          %dma_start3A_82 = arith.constant 0 : i32
          %dma_start3A_83 = tpu.memref_slice %arg2[%dma_start3A_81, %dma_start3A_82] : memref<10112x128xf32, #tpu.memory_space<hbm>> -> memref<10112x128xf32, #tpu.memory_space<hbm>>
          tpu.enqueue_indirect_dma source(%dma_start3A_83 : memref<10112x128xf32, #tpu.memory_space<hbm>>) target(%arg7 : memref<112x128xf32, #tpu.memory_space<vmem>>) offsets(%dma_start3A_80 : memref<112xi32, #tpu.memory_space<vmem>>) semaphore(%arg10 : memref<!tpu.dma_semaphore, #tpu.memory_space<semaphore_mem>>)
        } else {
        }
        %add3A_72 = arith.constant 1 : i32
        %add3A_73 = arith.addi %add3A_43, %add3A_72 : i32
        %run_scoped3A_74 = arith.constant 1 : i32
        "tpu.region"() ({
          %run_scoped3A_75 = tpu.sem_alloc : memref<!tpu.dma_semaphore, #tpu.memory_space<semaphore_mem>>
          %dma_start3A_76 = arith.constant 0 : i32
          %dma_start3A_77 = tpu.memref_slice %arg6[%add3A_73, %run_scoped3A_74, %dma_start3A_76] : memref<4x2x112xi32, #tpu.memory_space<vmem>> -> memref<1x1x112xi32, #tpu.memory_space<vmem>>
          %dma_start3A_78 = tpu.memref_squeeze %dma_start3A_77 : memref<1x1x112xi32, #tpu.memory_space<vmem>> -> memref<112xi32, #tpu.memory_space<vmem>>
          %dma_start3A_79 = arith.constant 0 : i32
          %dma_start3A_80 = arith.constant 0 : i32
          %dma_start3A_81 = tpu.memref_slice %arg9[%dma_start3A_79, %dma_start3A_80] : memref<10112x128xf32, #tpu.memory_space<vmem_shared>> -> memref<10112x128xf32, #tpu.memory_space<vmem_shared>>
          tpu.enqueue_indirect_dma source(%arg8 : memref<112x128xf32, #tpu.memory_space<vmem>>) target(%dma_start3A_81 : memref<10112x128xf32, #tpu.memory_space<vmem_shared>>) offsets(%dma_start3A_78 : memref<112xi32, #tpu.memory_space<vmem>>) semaphore(%run_scoped3A_75 : memref<!tpu.dma_semaphore, #tpu.memory_space<semaphore_mem>>) {add = true}
          %dma_wait3A_82 = arith.constant 0 : i32
          %dma_wait3A_83 = tpu.memref_slice %arg6[%add3A_73, %run_scoped3A_74, %dma_wait3A_82] : memref<4x2x112xi32, #tpu.memory_space<vmem>> -> memref<1x1x112xi32, #tpu.memory_space<vmem>>
          %dma_wait3A_84 = tpu.memref_squeeze %dma_wait3A_83 : memref<1x1x112xi32, #tpu.memory_space<vmem>> -> memref<112xi32, #tpu.memory_space<vmem>>
          %dma_wait3A_85 = arith.constant 0 : i32
          %dma_wait3A_86 = arith.constant 0 : i32
          %dma_wait3A_87 = tpu.memref_slice %arg9[%dma_wait3A_85, %dma_wait3A_86] : memref<10112x128xf32, #tpu.memory_space<vmem_shared>> -> memref<10112x128xf32, #tpu.memory_space<vmem_shared>>
          tpu.wait_indirect_dma semaphore(%run_scoped3A_75 : memref<!tpu.dma_semaphore, #tpu.memory_space<semaphore_mem>>) src(%arg8 : memref<112x128xf32, #tpu.memory_space<vmem>>) dst(%dma_wait3A_87 : memref<10112x128xf32, #tpu.memory_space<vmem_shared>>)
          tpu.yield
        }) : () -> ()
      }
      %scan3A_38 = arith.constant 2 : i32
    }
    %while3A_22 = arith.constant 1 : i32
    scf.for %while3A_24 = %while3A_20 to %while3A_16 step %while3A_22  : i32 {
      %mul3A_25 = arith.muli %while3A_24, %while3A : i32
      %add3A_26 = arith.addi %while3A_13, %mul3A_25 : i32
      %add3A_27 = arith.addi %mul3A_2, %add3A_26 : i32
      "tpu.region"() ({
        %run_scoped3A = tpu.sem_alloc : memref<!tpu.dma_semaphore, #tpu.memory_space<semaphore_mem>>
        %dma_start3A_39 = arith.constant 0 : i32
        %dma_start3A_40 = arith.constant 0 : i32
        %dma_start3A_41 = arith.constant 0 : i32
        %dma_start3A_42 = tpu.memref_slice %arg3[%arg1, %add3A_27, %dma_start3A_39, %dma_start3A_40, %dma_start3A_41] : memref<16x45x4x2x112xi32, #tpu.memory_space<hbm>> -> memref<1x1x4x2x112xi32, #tpu.memory_space<hbm>>
        %dma_start3A_43 = tpu.memref_squeeze %dma_start3A_42 : memref<1x1x4x2x112xi32, #tpu.memory_space<hbm>> -> memref<4x2x112xi32, #tpu.memory_space<hbm>>
        %dma_start3A_44 = arith.constant 0 : i32
        %dma_start3A_45 = arith.constant 0 : i32
        %dma_start3A_46 = arith.constant 0 : i32
        %dma_start3A_47 = tpu.memref_slice %arg3[%arg1, %add3A_27, %dma_start3A_44, %dma_start3A_45, %dma_start3A_46] : memref<16x45x4x2x112xi32, #tpu.memory_space<hbm>> -> memref<1x1x4x2x112xi32, #tpu.memory_space<hbm>>
        %dma_start3A_48 = tpu.memref_squeeze %dma_start3A_47 : memref<1x1x4x2x112xi32, #tpu.memory_space<hbm>> -> memref<4x2x112xi32, #tpu.memory_space<hbm>>
        tpu.enqueue_dma source(%dma_start3A_48 : memref<4x2x112xi32, #tpu.memory_space<hbm>>) target(%arg6 : memref<4x2x112xi32, #tpu.memory_space<vmem>>) target_semaphore(%run_scoped3A : memref<!tpu.dma_semaphore, #tpu.memory_space<semaphore_mem>>)
        %dma_wait3A = arith.constant 0 : i32
        %dma_wait3A_49 = arith.constant 0 : i32
        %dma_wait3A_50 = arith.constant 0 : i32
        %dma_wait3A_51 = tpu.memref_slice %arg3[%arg1, %add3A_27, %dma_wait3A, %dma_wait3A_49, %dma_wait3A_50] : memref<16x45x4x2x112xi32, #tpu.memory_space<hbm>> -> memref<1x1x4x2x112xi32, #tpu.memory_space<hbm>>
        %dma_wait3A_52 = tpu.memref_squeeze %dma_wait3A_51 : memref<1x1x4x2x112xi32, #tpu.memory_space<hbm>> -> memref<4x2x112xi32, #tpu.memory_space<hbm>>
        %dma_wait3A_53 = arith.constant 0 : i32
        %dma_wait3A_54 = arith.constant 0 : i32
        %dma_wait3A_55 = arith.constant 0 : i32
        %dma_wait3A_56 = tpu.memref_slice %arg3[%arg1, %add3A_27, %dma_wait3A_53, %dma_wait3A_54, %dma_wait3A_55] : memref<16x45x4x2x112xi32, #tpu.memory_space<hbm>> -> memref<1x1x4x2x112xi32, #tpu.memory_space<hbm>>
        %dma_wait3A_57 = tpu.memref_squeeze %dma_wait3A_56 : memref<1x1x4x2x112xi32, #tpu.memory_space<hbm>> -> memref<4x2x112xi32, #tpu.memory_space<hbm>>
        tpu.wait_dma2 semaphore(%run_scoped3A : memref<!tpu.dma_semaphore, #tpu.memory_space<semaphore_mem>>) src(%dma_wait3A_57 : memref<4x2x112xi32, #tpu.memory_space<hbm>>) dst(%arg6 : memref<4x2x112xi32, #tpu.memory_space<vmem>>)
        tpu.yield
      }) : () -> ()
      %dma_start3A = arith.constant 0 : i32
      %dma_start3A_28 = arith.constant 0 : i32
      %dma_start3A_29 = arith.constant 0 : i32
      %dma_start3A_30 = tpu.memref_slice %arg6[%dma_start3A, %dma_start3A_28, %dma_start3A_29] : memref<4x2x112xi32, #tpu.memory_space<vmem>> -> memref<1x1x112xi32, #tpu.memory_space<vmem>>
      %dma_start3A_31 = tpu.memref_squeeze %dma_start3A_30 : memref<1x1x112xi32, #tpu.memory_space<vmem>> -> memref<112xi32, #tpu.memory_space<vmem>>
      %dma_start3A_32 = arith.constant 0 : i32
      %dma_start3A_33 = arith.constant 0 : i32
      %dma_start3A_34 = tpu.memref_slice %arg2[%dma_start3A_32, %dma_start3A_33] : memref<10112x128xf32, #tpu.memory_space<hbm>> -> memref<10112x128xf32, #tpu.memory_space<hbm>>
      tpu.enqueue_indirect_dma source(%dma_start3A_34 : memref<10112x128xf32, #tpu.memory_space<hbm>>) target(%arg7 : memref<112x128xf32, #tpu.memory_space<vmem>>) offsets(%dma_start3A_31 : memref<112xi32, #tpu.memory_space<vmem>>) semaphore(%arg10 : memref<!tpu.dma_semaphore, #tpu.memory_space<semaphore_mem>>)
      %scan3A = arith.constant 0 : i32
      %scan3A_35 = arith.constant 2 : i32
      %scan3A_36 = arith.addi %scan3A, %scan3A_35 : i32
      %scan3A_37 = arith.constant 1 : i32
      scf.for %scan3A_39 = %scan3A to %scan3A_36 step %scan3A_37  : i32 {
        %mul3A_40 = arith.constant 2 : i32
        %mul3A_41 = arith.muli %scan3A_39, %mul3A_40 : i32
        %add3A_42 = arith.constant 0 : i32
        %add3A_43 = arith.addi %add3A_42, %mul3A_41 : i32
        %dma_wait3A = arith.constant 0 : i32
        %dma_wait3A_44 = arith.constant 0 : i32
        %dma_wait3A_45 = tpu.memref_slice %arg6[%add3A_43, %dma_wait3A, %dma_wait3A_44] : memref<4x2x112xi32, #tpu.memory_space<vmem>> -> memref<1x1x112xi32, #tpu.memory_space<vmem>>
        %dma_wait3A_46 = tpu.memref_squeeze %dma_wait3A_45 : memref<1x1x112xi32, #tpu.memory_space<vmem>> -> memref<112xi32, #tpu.memory_space<vmem>>
        %dma_wait3A_47 = arith.constant 0 : i32
        %dma_wait3A_48 = arith.constant 0 : i32
        %dma_wait3A_49 = tpu.memref_slice %arg2[%dma_wait3A_47, %dma_wait3A_48] : memref<10112x128xf32, #tpu.memory_space<hbm>> -> memref<10112x128xf32, #tpu.memory_space<hbm>>
        tpu.wait_indirect_dma semaphore(%arg10 : memref<!tpu.dma_semaphore, #tpu.memory_space<semaphore_mem>>) src(%dma_wait3A_49 : memref<10112x128xf32, #tpu.memory_space<hbm>>) dst(%arg7 : memref<112x128xf32, #tpu.memory_space<vmem>>)
        %add3A_50 = arith.constant 1 : i32
        %add3A_51 = arith.addi %add3A_43, %add3A_50 : i32
        %dma_start3A_52 = arith.constant 0 : i32
        %dma_start3A_53 = arith.constant 0 : i32
        %dma_start3A_54 = tpu.memref_slice %arg6[%add3A_51, %dma_start3A_52, %dma_start3A_53] : memref<4x2x112xi32, #tpu.memory_space<vmem>> -> memref<1x1x112xi32, #tpu.memory_space<vmem>>
        %dma_start3A_55 = tpu.memref_squeeze %dma_start3A_54 : memref<1x1x112xi32, #tpu.memory_space<vmem>> -> memref<112xi32, #tpu.memory_space<vmem>>
        %dma_start3A_56 = arith.constant 0 : i32
        %dma_start3A_57 = arith.constant 0 : i32
        %dma_start3A_58 = tpu.memref_slice %arg2[%dma_start3A_56, %dma_start3A_57] : memref<10112x128xf32, #tpu.memory_space<hbm>> -> memref<10112x128xf32, #tpu.memory_space<hbm>>
        tpu.enqueue_indirect_dma source(%dma_start3A_58 : memref<10112x128xf32, #tpu.memory_space<hbm>>) target(%arg8 : memref<112x128xf32, #tpu.memory_space<vmem>>) offsets(%dma_start3A_55 : memref<112xi32, #tpu.memory_space<vmem>>) semaphore(%arg11 : memref<!tpu.dma_semaphore, #tpu.memory_space<semaphore_mem>>)
        %run_scoped3A = arith.constant 1 : i32
        "tpu.region"() ({
          %run_scoped3A_75 = tpu.sem_alloc : memref<!tpu.dma_semaphore, #tpu.memory_space<semaphore_mem>>
          %dma_start3A_76 = arith.constant 0 : i32
          %dma_start3A_77 = tpu.memref_slice %arg6[%add3A_43, %run_scoped3A, %dma_start3A_76] : memref<4x2x112xi32, #tpu.memory_space<vmem>> -> memref<1x1x112xi32, #tpu.memory_space<vmem>>
          %dma_start3A_78 = tpu.memref_squeeze %dma_start3A_77 : memref<1x1x112xi32, #tpu.memory_space<vmem>> -> memref<112xi32, #tpu.memory_space<vmem>>
          %dma_start3A_79 = arith.constant 0 : i32
          %dma_start3A_80 = arith.constant 0 : i32
          %dma_start3A_81 = tpu.memref_slice %arg9[%dma_start3A_79, %dma_start3A_80] : memref<10112x128xf32, #tpu.memory_space<vmem_shared>> -> memref<10112x128xf32, #tpu.memory_space<vmem_shared>>
          tpu.enqueue_indirect_dma source(%arg7 : memref<112x128xf32, #tpu.memory_space<vmem>>) target(%dma_start3A_81 : memref<10112x128xf32, #tpu.memory_space<vmem_shared>>) offsets(%dma_start3A_78 : memref<112xi32, #tpu.memory_space<vmem>>) semaphore(%run_scoped3A_75 : memref<!tpu.dma_semaphore, #tpu.memory_space<semaphore_mem>>) {add = true}
          %dma_wait3A_82 = arith.constant 0 : i32
          %dma_wait3A_83 = tpu.memref_slice %arg6[%add3A_43, %run_scoped3A, %dma_wait3A_82] : memref<4x2x112xi32, #tpu.memory_space<vmem>> -> memref<1x1x112xi32, #tpu.memory_space<vmem>>
          %dma_wait3A_84 = tpu.memref_squeeze %dma_wait3A_83 : memref<1x1x112xi32, #tpu.memory_space<vmem>> -> memref<112xi32, #tpu.memory_space<vmem>>
          %dma_wait3A_85 = arith.constant 0 : i32
          %dma_wait3A_86 = arith.constant 0 : i32
          %dma_wait3A_87 = tpu.memref_slice %arg9[%dma_wait3A_85, %dma_wait3A_86] : memref<10112x128xf32, #tpu.memory_space<vmem_shared>> -> memref<10112x128xf32, #tpu.memory_space<vmem_shared>>
          tpu.wait_indirect_dma semaphore(%run_scoped3A_75 : memref<!tpu.dma_semaphore, #tpu.memory_space<semaphore_mem>>) src(%arg7 : memref<112x128xf32, #tpu.memory_space<vmem>>) dst(%dma_wait3A_87 : memref<10112x128xf32, #tpu.memory_space<vmem_shared>>)
          tpu.yield
        }) : () -> ()
        %add3A_59 = arith.constant 1 : i32
        %add3A_60 = arith.addi %add3A_43, %add3A_59 : i32
        %dma_wait3A_61 = arith.constant 0 : i32
        %dma_wait3A_62 = arith.constant 0 : i32
        %dma_wait3A_63 = tpu.memref_slice %arg6[%add3A_60, %dma_wait3A_61, %dma_wait3A_62] : memref<4x2x112xi32, #tpu.memory_space<vmem>> -> memref<1x1x112xi32, #tpu.memory_space<vmem>>
        %dma_wait3A_64 = tpu.memref_squeeze %dma_wait3A_63 : memref<1x1x112xi32, #tpu.memory_space<vmem>> -> memref<112xi32, #tpu.memory_space<vmem>>
        %dma_wait3A_65 = arith.constant 0 : i32
        %dma_wait3A_66 = arith.constant 0 : i32
        %dma_wait3A_67 = tpu.memref_slice %arg2[%dma_wait3A_65, %dma_wait3A_66] : memref<10112x128xf32, #tpu.memory_space<hbm>> -> memref<10112x128xf32, #tpu.memory_space<hbm>>
        tpu.wait_indirect_dma semaphore(%arg11 : memref<!tpu.dma_semaphore, #tpu.memory_space<semaphore_mem>>) src(%dma_wait3A_67 : memref<10112x128xf32, #tpu.memory_space<hbm>>) dst(%arg8 : memref<112x128xf32, #tpu.memory_space<vmem>>)
        %add3A_68 = arith.constant 2 : i32
        %add3A_69 = arith.addi %add3A_43, %add3A_68 : i32
        %lt3A = arith.constant 4 : i32
        %lt3A_70 = arith.cmpi slt, %add3A_69, %lt3A : i32
        %convert_element_type3A = arith.extui %lt3A_70 : i1 to i32
        %cond3A = arith.constant 0 : i32
        %cond3A_71 = arith.cmpi ne, %convert_element_type3A, %cond3A : i32
        scf.if %cond3A_71 {
          %add3A_75 = arith.constant 2 : i32
          %add3A_76 = arith.addi %add3A_43, %add3A_75 : i32
          %dma_start3A_77 = arith.constant 0 : i32
          %dma_start3A_78 = arith.constant 0 : i32
          %dma_start3A_79 = tpu.memref_slice %arg6[%add3A_76, %dma_start3A_77, %dma_start3A_78] : memref<4x2x112xi32, #tpu.memory_space<vmem>> -> memref<1x1x112xi32, #tpu.memory_space<vmem>>
          %dma_start3A_80 = tpu.memref_squeeze %dma_start3A_79 : memref<1x1x112xi32, #tpu.memory_space<vmem>> -> memref<112xi32, #tpu.memory_space<vmem>>
          %dma_start3A_81 = arith.constant 0 : i32
          %dma_start3A_82 = arith.constant 0 : i32
          %dma_start3A_83 = tpu.memref_slice %arg2[%dma_start3A_81, %dma_start3A_82] : memref<10112x128xf32, #tpu.memory_space<hbm>> -> memref<10112x128xf32, #tpu.memory_space<hbm>>
          tpu.enqueue_indirect_dma source(%dma_start3A_83 : memref<10112x128xf32, #tpu.memory_space<hbm>>) target(%arg7 : memref<112x128xf32, #tpu.memory_space<vmem>>) offsets(%dma_start3A_80 : memref<112xi32, #tpu.memory_space<vmem>>) semaphore(%arg10 : memref<!tpu.dma_semaphore, #tpu.memory_space<semaphore_mem>>)
        } else {
        }
        %add3A_72 = arith.constant 1 : i32
        %add3A_73 = arith.addi %add3A_43, %add3A_72 : i32
        %run_scoped3A_74 = arith.constant 1 : i32
        "tpu.region"() ({
          %run_scoped3A_75 = tpu.sem_alloc : memref<!tpu.dma_semaphore, #tpu.memory_space<semaphore_mem>>
          %dma_start3A_76 = arith.constant 0 : i32
          %dma_start3A_77 = tpu.memref_slice %arg6[%add3A_73, %run_scoped3A_74, %dma_start3A_76] : memref<4x2x112xi32, #tpu.memory_space<vmem>> -> memref<1x1x112xi32, #tpu.memory_space<vmem>>
          %dma_start3A_78 = tpu.memref_squeeze %dma_start3A_77 : memref<1x1x112xi32, #tpu.memory_space<vmem>> -> memref<112xi32, #tpu.memory_space<vmem>>
          %dma_start3A_79 = arith.constant 0 : i32
          %dma_start3A_80 = arith.constant 0 : i32
          %dma_start3A_81 = tpu.memref_slice %arg9[%dma_start3A_79, %dma_start3A_80] : memref<10112x128xf32, #tpu.memory_space<vmem_shared>> -> memref<10112x128xf32, #tpu.memory_space<vmem_shared>>
          tpu.enqueue_indirect_dma source(%arg8 : memref<112x128xf32, #tpu.memory_space<vmem>>) target(%dma_start3A_81 : memref<10112x128xf32, #tpu.memory_space<vmem_shared>>) offsets(%dma_start3A_78 : memref<112xi32, #tpu.memory_space<vmem>>) semaphore(%run_scoped3A_75 : memref<!tpu.dma_semaphore, #tpu.memory_space<semaphore_mem>>) {add = true}
          %dma_wait3A_82 = arith.constant 0 : i32
          %dma_wait3A_83 = tpu.memref_slice %arg6[%add3A_73, %run_scoped3A_74, %dma_wait3A_82] : memref<4x2x112xi32, #tpu.memory_space<vmem>> -> memref<1x1x112xi32, #tpu.memory_space<vmem>>
          %dma_wait3A_84 = tpu.memref_squeeze %dma_wait3A_83 : memref<1x1x112xi32, #tpu.memory_space<vmem>> -> memref<112xi32, #tpu.memory_space<vmem>>
          %dma_wait3A_85 = arith.constant 0 : i32
          %dma_wait3A_86 = arith.constant 0 : i32
          %dma_wait3A_87 = tpu.memref_slice %arg9[%dma_wait3A_85, %dma_wait3A_86] : memref<10112x128xf32, #tpu.memory_space<vmem_shared>> -> memref<10112x128xf32, #tpu.memory_space<vmem_shared>>
          tpu.wait_indirect_dma semaphore(%run_scoped3A_75 : memref<!tpu.dma_semaphore, #tpu.memory_space<semaphore_mem>>) src(%arg8 : memref<112x128xf32, #tpu.memory_space<vmem>>) dst(%dma_wait3A_87 : memref<10112x128xf32, #tpu.memory_space<vmem_shared>>)
          tpu.yield
        }) : () -> ()
      }
      %scan3A_38 = arith.constant 2 : i32
    }
    %barrier3A_23 = arith.constant 0 : index
    tpu.barrier barrier_id(%barrier3A_23)
    "tpu.region"() ({
      %run_scoped3A = tpu.sem_alloc : memref<!tpu.dma_semaphore, #tpu.memory_space<semaphore_mem>>
      %dma_start3A = arith.constant 0 : i32
      %dma_start3A_24 = tpu.memref_slice %arg5[%arg0, %mul3A_0, %dma_start3A] : memref<2x10112x128xf32, #tpu.memory_space<hbm>> -> memref<1x632x128xf32, #tpu.memory_space<hbm>>
      %dma_start3A_25 = tpu.memref_squeeze %dma_start3A_24 : memref<1x632x128xf32, #tpu.memory_space<hbm>> -> memref<632x128xf32, #tpu.memory_space<hbm>>
      %dma_start3A_26 = arith.constant 0 : i32
      %dma_start3A_27 = tpu.memref_slice %arg9[%mul3A_0, %dma_start3A_26] : memref<10112x128xf32, #tpu.memory_space<vmem_shared>> -> memref<632x128xf32, #tpu.memory_space<vmem_shared>>
      tpu.enqueue_dma source(%dma_start3A_27 : memref<632x128xf32, #tpu.memory_space<vmem_shared>>) target(%dma_start3A_25 : memref<632x128xf32, #tpu.memory_space<hbm>>) target_semaphore(%run_scoped3A : memref<!tpu.dma_semaphore, #tpu.memory_space<semaphore_mem>>)
      %dma_wait3A = arith.constant 0 : i32
      %dma_wait3A_28 = tpu.memref_slice %arg5[%arg0, %mul3A_0, %dma_wait3A] : memref<2x10112x128xf32, #tpu.memory_space<hbm>> -> memref<1x632x128xf32, #tpu.memory_space<hbm>>
      %dma_wait3A_29 = tpu.memref_squeeze %dma_wait3A_28 : memref<1x632x128xf32, #tpu.memory_space<hbm>> -> memref<632x128xf32, #tpu.memory_space<hbm>>
      %dma_wait3A_30 = arith.constant 0 : i32
      %dma_wait3A_31 = tpu.memref_slice %arg9[%mul3A_0, %dma_wait3A_30] : memref<10112x128xf32, #tpu.memory_space<vmem_shared>> -> memref<632x128xf32, #tpu.memory_space<vmem_shared>>
      tpu.wait_dma2 semaphore(%run_scoped3A : memref<!tpu.dma_semaphore, #tpu.memory_space<semaphore_mem>>) src(%dma_wait3A_31 : memref<632x128xf32, #tpu.memory_space<vmem_shared>>) dst(%dma_wait3A_29 : memref<632x128xf32, #tpu.memory_space<hbm>>)
      tpu.yield
    }) : () -> ()
    return
  }
}

#map = affine_map<(d0, d1) -> (0, 0, 0, 0, 0)>
#map1 = affine_map<(d0, d1) -> (0, 0)>
#map2 = affine_map<(d0, d1) -> (0, 0, 0)>
module attributes {stable_mosaic.version = 14 : i64} {
  func.func @deg_kernel(%arg0: i32, %arg1: i32, %arg2: memref<16x45x4x2x112xi32, #tpu.memory_space<hbm>>, %arg3: memref<112x128xf32, #tpu.memory_space<hbm>>, %arg4: memref<10112x128xf32, #tpu.memory_space<hbm>>, %arg5: memref<2x10112x128xf32, #tpu.memory_space<hbm>>, %arg6: memref<4x2x112xi32, #tpu.memory_space<vmem>>, %arg7: memref<112x128xf32, #tpu.memory_space<vmem>>, %arg8: memref<10112x128xf32, #tpu.memory_space<vmem_shared>>) attributes {dimension_semantics = [#tpu.dimension_semantics<core_parallel>, #tpu.dimension_semantics<subcore_parallel>], iteration_bounds = array<i64: 2, 16>, scalar_prefetch = 0 : i64, scratch_operands = 3 : i64, tpu.core_type = #tpu.core_type<sc_vector_subcore>, window_params = [{transform_indices = #map}, {transform_indices = #map1}, {transform_indices = #map1}, {transform_indices = #map2}]} {
    %mul3A = arith.constant 632 : i32
    %mul3A_0 = arith.muli %arg1, %mul3A : i32
    %mul3A_1 = arith.constant 22 : i32
    %mul3A_2 = arith.muli %arg0, %mul3A_1 : i32
    %mul3A_3 = arith.constant 23 : i32
    %mul3A_4 = arith.muli %arg0, %mul3A_3 : i32
    %add3A = arith.constant 22 : i32
    %add3A_5 = arith.addi %add3A, %mul3A_4 : i32
    "tpu.region"() ({
      %run_scoped3A = tpu.sem_alloc : memref<!tpu.dma_semaphore, #tpu.memory_space<semaphore_mem>>
      %dma_start3A = arith.constant 0 : i32
      %dma_start3A_24 = tpu.memref_slice %arg8[%mul3A_0, %dma_start3A] : memref<10112x128xf32, #tpu.memory_space<vmem_shared>> -> memref<632x128xf32, #tpu.memory_space<vmem_shared>>
      %dma_start3A_25 = arith.constant 0 : i32
      %dma_start3A_26 = tpu.memref_slice %arg4[%mul3A_0, %dma_start3A_25] : memref<10112x128xf32, #tpu.memory_space<hbm>> -> memref<632x128xf32, #tpu.memory_space<hbm>>
      tpu.enqueue_dma source(%dma_start3A_26 : memref<632x128xf32, #tpu.memory_space<hbm>>) target(%dma_start3A_24 : memref<632x128xf32, #tpu.memory_space<vmem_shared>>) target_semaphore(%run_scoped3A : memref<!tpu.dma_semaphore, #tpu.memory_space<semaphore_mem>>)
      %dma_wait3A = arith.constant 0 : i32
      %dma_wait3A_27 = tpu.memref_slice %arg8[%mul3A_0, %dma_wait3A] : memref<10112x128xf32, #tpu.memory_space<vmem_shared>> -> memref<632x128xf32, #tpu.memory_space<vmem_shared>>
      %dma_wait3A_28 = arith.constant 0 : i32
      %dma_wait3A_29 = tpu.memref_slice %arg4[%mul3A_0, %dma_wait3A_28] : memref<10112x128xf32, #tpu.memory_space<hbm>> -> memref<632x128xf32, #tpu.memory_space<hbm>>
      tpu.wait_dma2 semaphore(%run_scoped3A : memref<!tpu.dma_semaphore, #tpu.memory_space<semaphore_mem>>) src(%dma_wait3A_29 : memref<632x128xf32, #tpu.memory_space<hbm>>) dst(%dma_wait3A_27 : memref<632x128xf32, #tpu.memory_space<vmem_shared>>)
      tpu.yield
    }) : () -> ()
    "tpu.region"() ({
      %run_scoped3A = tpu.sem_alloc : memref<!tpu.dma_semaphore, #tpu.memory_space<semaphore_mem>>
      tpu.enqueue_dma source(%arg3 : memref<112x128xf32, #tpu.memory_space<hbm>>) target(%arg7 : memref<112x128xf32, #tpu.memory_space<vmem>>) target_semaphore(%run_scoped3A : memref<!tpu.dma_semaphore, #tpu.memory_space<semaphore_mem>>)
      tpu.wait_dma2 semaphore(%run_scoped3A : memref<!tpu.dma_semaphore, #tpu.memory_space<semaphore_mem>>) src(%arg3 : memref<112x128xf32, #tpu.memory_space<hbm>>) dst(%arg7 : memref<112x128xf32, #tpu.memory_space<vmem>>)
      tpu.yield
    }) : () -> ()
    %barrier3A = arith.constant 0 : index
    tpu.barrier barrier_id(%barrier3A)
    %sub3A = arith.subi %add3A_5, %mul3A_2 : i32
    %sub3A_6 = arith.constant 0 : i32
    %sub3A_7 = arith.subi %sub3A, %sub3A_6 : i32
    %sub3A_8 = arith.constant 1 : i32
    %sub3A_9 = arith.constant 1 : i32
    %sub3A_10 = arith.subi %sub3A_8, %sub3A_9 : i32
    %add3A_11 = arith.addi %sub3A_7, %sub3A_10 : i32
    %div3A = arith.constant 1 : i32
    %div3A_12 = arith.divsi %add3A_11, %div3A : i32
    %while3A = arith.constant 1 : i32
    %while3A_13 = arith.constant 0 : i32
    %while3A_14 = arith.constant 0 : i32
    %while3A_15 = arith.subi %div3A_12, %while3A_14 : i32
    %while3A_16 = arith.addi %while3A_14, %while3A_15 : i32
    %while3A_17 = arith.constant 1 : i32
    %while3A_18 = arith.divsi %while3A_15, %while3A_17 : i32
    %while3A_19 = arith.muli %while3A_18, %while3A_17 : i32
    %while3A_20 = arith.addi %while3A_14, %while3A_19 : i32
    %while3A_21 = arith.constant 1 : i32
    scf.for %while3A_24 = %while3A_14 to %while3A_20 step %while3A_21  : i32 {
      %mul3A_25 = arith.muli %while3A_24, %while3A : i32
      %add3A_26 = arith.addi %while3A_13, %mul3A_25 : i32
      %add3A_27 = arith.addi %mul3A_2, %add3A_26 : i32
      "tpu.region"() ({
        %run_scoped3A = tpu.sem_alloc : memref<!tpu.dma_semaphore, #tpu.memory_space<semaphore_mem>>
        %dma_start3A = arith.constant 0 : i32
        %dma_start3A_32 = arith.constant 0 : i32
        %dma_start3A_33 = arith.constant 0 : i32
        %dma_start3A_34 = tpu.memref_slice %arg2[%arg1, %add3A_27, %dma_start3A, %dma_start3A_32, %dma_start3A_33] : memref<16x45x4x2x112xi32, #tpu.memory_space<hbm>> -> memref<1x1x4x2x112xi32, #tpu.memory_space<hbm>>
        %dma_start3A_35 = tpu.memref_squeeze %dma_start3A_34 : memref<1x1x4x2x112xi32, #tpu.memory_space<hbm>> -> memref<4x2x112xi32, #tpu.memory_space<hbm>>
        %dma_start3A_36 = arith.constant 0 : i32
        %dma_start3A_37 = arith.constant 0 : i32
        %dma_start3A_38 = arith.constant 0 : i32
        %dma_start3A_39 = tpu.memref_slice %arg2[%arg1, %add3A_27, %dma_start3A_36, %dma_start3A_37, %dma_start3A_38] : memref<16x45x4x2x112xi32, #tpu.memory_space<hbm>> -> memref<1x1x4x2x112xi32, #tpu.memory_space<hbm>>
        %dma_start3A_40 = tpu.memref_squeeze %dma_start3A_39 : memref<1x1x4x2x112xi32, #tpu.memory_space<hbm>> -> memref<4x2x112xi32, #tpu.memory_space<hbm>>
        tpu.enqueue_dma source(%dma_start3A_40 : memref<4x2x112xi32, #tpu.memory_space<hbm>>) target(%arg6 : memref<4x2x112xi32, #tpu.memory_space<vmem>>) target_semaphore(%run_scoped3A : memref<!tpu.dma_semaphore, #tpu.memory_space<semaphore_mem>>)
        %dma_wait3A = arith.constant 0 : i32
        %dma_wait3A_41 = arith.constant 0 : i32
        %dma_wait3A_42 = arith.constant 0 : i32
        %dma_wait3A_43 = tpu.memref_slice %arg2[%arg1, %add3A_27, %dma_wait3A, %dma_wait3A_41, %dma_wait3A_42] : memref<16x45x4x2x112xi32, #tpu.memory_space<hbm>> -> memref<1x1x4x2x112xi32, #tpu.memory_space<hbm>>
        %dma_wait3A_44 = tpu.memref_squeeze %dma_wait3A_43 : memref<1x1x4x2x112xi32, #tpu.memory_space<hbm>> -> memref<4x2x112xi32, #tpu.memory_space<hbm>>
        %dma_wait3A_45 = arith.constant 0 : i32
        %dma_wait3A_46 = arith.constant 0 : i32
        %dma_wait3A_47 = arith.constant 0 : i32
        %dma_wait3A_48 = tpu.memref_slice %arg2[%arg1, %add3A_27, %dma_wait3A_45, %dma_wait3A_46, %dma_wait3A_47] : memref<16x45x4x2x112xi32, #tpu.memory_space<hbm>> -> memref<1x1x4x2x112xi32, #tpu.memory_space<hbm>>
        %dma_wait3A_49 = tpu.memref_squeeze %dma_wait3A_48 : memref<1x1x4x2x112xi32, #tpu.memory_space<hbm>> -> memref<4x2x112xi32, #tpu.memory_space<hbm>>
        tpu.wait_dma2 semaphore(%run_scoped3A : memref<!tpu.dma_semaphore, #tpu.memory_space<semaphore_mem>>) src(%dma_wait3A_49 : memref<4x2x112xi32, #tpu.memory_space<hbm>>) dst(%arg6 : memref<4x2x112xi32, #tpu.memory_space<vmem>>)
        tpu.yield
      }) : () -> ()
      %scan3A = arith.constant 0 : i32
      %scan3A_28 = arith.constant 4 : i32
      %scan3A_29 = arith.addi %scan3A, %scan3A_28 : i32
      %scan3A_30 = arith.constant 1 : i32
      scf.for %scan3A_32 = %scan3A to %scan3A_29 step %scan3A_30  : i32 {
        %mul3A_33 = arith.constant 1 : i32
        %mul3A_34 = arith.muli %scan3A_32, %mul3A_33 : i32
        %add3A_35 = arith.constant 0 : i32
        %add3A_36 = arith.addi %add3A_35, %mul3A_34 : i32
        %run_scoped3A = arith.constant 1 : i32
        "tpu.region"() ({
          %run_scoped3A_37 = tpu.sem_alloc : memref<!tpu.dma_semaphore, #tpu.memory_space<semaphore_mem>>
          %dma_start3A = arith.constant 0 : i32
          %dma_start3A_38 = tpu.memref_slice %arg6[%add3A_36, %run_scoped3A, %dma_start3A] : memref<4x2x112xi32, #tpu.memory_space<vmem>> -> memref<1x1x112xi32, #tpu.memory_space<vmem>>
          %dma_start3A_39 = tpu.memref_squeeze %dma_start3A_38 : memref<1x1x112xi32, #tpu.memory_space<vmem>> -> memref<112xi32, #tpu.memory_space<vmem>>
          %dma_start3A_40 = arith.constant 0 : i32
          %dma_start3A_41 = arith.constant 0 : i32
          %dma_start3A_42 = tpu.memref_slice %arg8[%dma_start3A_40, %dma_start3A_41] : memref<10112x128xf32, #tpu.memory_space<vmem_shared>> -> memref<10112x128xf32, #tpu.memory_space<vmem_shared>>
          tpu.enqueue_indirect_dma source(%arg7 : memref<112x128xf32, #tpu.memory_space<vmem>>) target(%dma_start3A_42 : memref<10112x128xf32, #tpu.memory_space<vmem_shared>>) offsets(%dma_start3A_39 : memref<112xi32, #tpu.memory_space<vmem>>) semaphore(%run_scoped3A_37 : memref<!tpu.dma_semaphore, #tpu.memory_space<semaphore_mem>>) {add = true}
          %dma_wait3A = arith.constant 0 : i32
          %dma_wait3A_43 = tpu.memref_slice %arg6[%add3A_36, %run_scoped3A, %dma_wait3A] : memref<4x2x112xi32, #tpu.memory_space<vmem>> -> memref<1x1x112xi32, #tpu.memory_space<vmem>>
          %dma_wait3A_44 = tpu.memref_squeeze %dma_wait3A_43 : memref<1x1x112xi32, #tpu.memory_space<vmem>> -> memref<112xi32, #tpu.memory_space<vmem>>
          %dma_wait3A_45 = arith.constant 0 : i32
          %dma_wait3A_46 = arith.constant 0 : i32
          %dma_wait3A_47 = tpu.memref_slice %arg8[%dma_wait3A_45, %dma_wait3A_46] : memref<10112x128xf32, #tpu.memory_space<vmem_shared>> -> memref<10112x128xf32, #tpu.memory_space<vmem_shared>>
          tpu.wait_indirect_dma semaphore(%run_scoped3A_37 : memref<!tpu.dma_semaphore, #tpu.memory_space<semaphore_mem>>) src(%arg7 : memref<112x128xf32, #tpu.memory_space<vmem>>) dst(%dma_wait3A_47 : memref<10112x128xf32, #tpu.memory_space<vmem_shared>>)
          tpu.yield
        }) : () -> ()
      }
      %scan3A_31 = arith.constant 4 : i32
    }
    %while3A_22 = arith.constant 1 : i32
    scf.for %while3A_24 = %while3A_20 to %while3A_16 step %while3A_22  : i32 {
      %mul3A_25 = arith.muli %while3A_24, %while3A : i32
      %add3A_26 = arith.addi %while3A_13, %mul3A_25 : i32
      %add3A_27 = arith.addi %mul3A_2, %add3A_26 : i32
      "tpu.region"() ({
        %run_scoped3A = tpu.sem_alloc : memref<!tpu.dma_semaphore, #tpu.memory_space<semaphore_mem>>
        %dma_start3A = arith.constant 0 : i32
        %dma_start3A_32 = arith.constant 0 : i32
        %dma_start3A_33 = arith.constant 0 : i32
        %dma_start3A_34 = tpu.memref_slice %arg2[%arg1, %add3A_27, %dma_start3A, %dma_start3A_32, %dma_start3A_33] : memref<16x45x4x2x112xi32, #tpu.memory_space<hbm>> -> memref<1x1x4x2x112xi32, #tpu.memory_space<hbm>>
        %dma_start3A_35 = tpu.memref_squeeze %dma_start3A_34 : memref<1x1x4x2x112xi32, #tpu.memory_space<hbm>> -> memref<4x2x112xi32, #tpu.memory_space<hbm>>
        %dma_start3A_36 = arith.constant 0 : i32
        %dma_start3A_37 = arith.constant 0 : i32
        %dma_start3A_38 = arith.constant 0 : i32
        %dma_start3A_39 = tpu.memref_slice %arg2[%arg1, %add3A_27, %dma_start3A_36, %dma_start3A_37, %dma_start3A_38] : memref<16x45x4x2x112xi32, #tpu.memory_space<hbm>> -> memref<1x1x4x2x112xi32, #tpu.memory_space<hbm>>
        %dma_start3A_40 = tpu.memref_squeeze %dma_start3A_39 : memref<1x1x4x2x112xi32, #tpu.memory_space<hbm>> -> memref<4x2x112xi32, #tpu.memory_space<hbm>>
        tpu.enqueue_dma source(%dma_start3A_40 : memref<4x2x112xi32, #tpu.memory_space<hbm>>) target(%arg6 : memref<4x2x112xi32, #tpu.memory_space<vmem>>) target_semaphore(%run_scoped3A : memref<!tpu.dma_semaphore, #tpu.memory_space<semaphore_mem>>)
        %dma_wait3A = arith.constant 0 : i32
        %dma_wait3A_41 = arith.constant 0 : i32
        %dma_wait3A_42 = arith.constant 0 : i32
        %dma_wait3A_43 = tpu.memref_slice %arg2[%arg1, %add3A_27, %dma_wait3A, %dma_wait3A_41, %dma_wait3A_42] : memref<16x45x4x2x112xi32, #tpu.memory_space<hbm>> -> memref<1x1x4x2x112xi32, #tpu.memory_space<hbm>>
        %dma_wait3A_44 = tpu.memref_squeeze %dma_wait3A_43 : memref<1x1x4x2x112xi32, #tpu.memory_space<hbm>> -> memref<4x2x112xi32, #tpu.memory_space<hbm>>
        %dma_wait3A_45 = arith.constant 0 : i32
        %dma_wait3A_46 = arith.constant 0 : i32
        %dma_wait3A_47 = arith.constant 0 : i32
        %dma_wait3A_48 = tpu.memref_slice %arg2[%arg1, %add3A_27, %dma_wait3A_45, %dma_wait3A_46, %dma_wait3A_47] : memref<16x45x4x2x112xi32, #tpu.memory_space<hbm>> -> memref<1x1x4x2x112xi32, #tpu.memory_space<hbm>>
        %dma_wait3A_49 = tpu.memref_squeeze %dma_wait3A_48 : memref<1x1x4x2x112xi32, #tpu.memory_space<hbm>> -> memref<4x2x112xi32, #tpu.memory_space<hbm>>
        tpu.wait_dma2 semaphore(%run_scoped3A : memref<!tpu.dma_semaphore, #tpu.memory_space<semaphore_mem>>) src(%dma_wait3A_49 : memref<4x2x112xi32, #tpu.memory_space<hbm>>) dst(%arg6 : memref<4x2x112xi32, #tpu.memory_space<vmem>>)
        tpu.yield
      }) : () -> ()
      %scan3A = arith.constant 0 : i32
      %scan3A_28 = arith.constant 4 : i32
      %scan3A_29 = arith.addi %scan3A, %scan3A_28 : i32
      %scan3A_30 = arith.constant 1 : i32
      scf.for %scan3A_32 = %scan3A to %scan3A_29 step %scan3A_30  : i32 {
        %mul3A_33 = arith.constant 1 : i32
        %mul3A_34 = arith.muli %scan3A_32, %mul3A_33 : i32
        %add3A_35 = arith.constant 0 : i32
        %add3A_36 = arith.addi %add3A_35, %mul3A_34 : i32
        %run_scoped3A = arith.constant 1 : i32
        "tpu.region"() ({
          %run_scoped3A_37 = tpu.sem_alloc : memref<!tpu.dma_semaphore, #tpu.memory_space<semaphore_mem>>
          %dma_start3A = arith.constant 0 : i32
          %dma_start3A_38 = tpu.memref_slice %arg6[%add3A_36, %run_scoped3A, %dma_start3A] : memref<4x2x112xi32, #tpu.memory_space<vmem>> -> memref<1x1x112xi32, #tpu.memory_space<vmem>>
          %dma_start3A_39 = tpu.memref_squeeze %dma_start3A_38 : memref<1x1x112xi32, #tpu.memory_space<vmem>> -> memref<112xi32, #tpu.memory_space<vmem>>
          %dma_start3A_40 = arith.constant 0 : i32
          %dma_start3A_41 = arith.constant 0 : i32
          %dma_start3A_42 = tpu.memref_slice %arg8[%dma_start3A_40, %dma_start3A_41] : memref<10112x128xf32, #tpu.memory_space<vmem_shared>> -> memref<10112x128xf32, #tpu.memory_space<vmem_shared>>
          tpu.enqueue_indirect_dma source(%arg7 : memref<112x128xf32, #tpu.memory_space<vmem>>) target(%dma_start3A_42 : memref<10112x128xf32, #tpu.memory_space<vmem_shared>>) offsets(%dma_start3A_39 : memref<112xi32, #tpu.memory_space<vmem>>) semaphore(%run_scoped3A_37 : memref<!tpu.dma_semaphore, #tpu.memory_space<semaphore_mem>>) {add = true}
          %dma_wait3A = arith.constant 0 : i32
          %dma_wait3A_43 = tpu.memref_slice %arg6[%add3A_36, %run_scoped3A, %dma_wait3A] : memref<4x2x112xi32, #tpu.memory_space<vmem>> -> memref<1x1x112xi32, #tpu.memory_space<vmem>>
          %dma_wait3A_44 = tpu.memref_squeeze %dma_wait3A_43 : memref<1x1x112xi32, #tpu.memory_space<vmem>> -> memref<112xi32, #tpu.memory_space<vmem>>
          %dma_wait3A_45 = arith.constant 0 : i32
          %dma_wait3A_46 = arith.constant 0 : i32
          %dma_wait3A_47 = tpu.memref_slice %arg8[%dma_wait3A_45, %dma_wait3A_46] : memref<10112x128xf32, #tpu.memory_space<vmem_shared>> -> memref<10112x128xf32, #tpu.memory_space<vmem_shared>>
          tpu.wait_indirect_dma semaphore(%run_scoped3A_37 : memref<!tpu.dma_semaphore, #tpu.memory_space<semaphore_mem>>) src(%arg7 : memref<112x128xf32, #tpu.memory_space<vmem>>) dst(%dma_wait3A_47 : memref<10112x128xf32, #tpu.memory_space<vmem_shared>>)
          tpu.yield
        }) : () -> ()
      }
      %scan3A_31 = arith.constant 4 : i32
    }
    %barrier3A_23 = arith.constant 0 : index
    tpu.barrier barrier_id(%barrier3A_23)
    "tpu.region"() ({
      %run_scoped3A = tpu.sem_alloc : memref<!tpu.dma_semaphore, #tpu.memory_space<semaphore_mem>>
      %dma_start3A = arith.constant 0 : i32
      %dma_start3A_24 = tpu.memref_slice %arg5[%arg0, %mul3A_0, %dma_start3A] : memref<2x10112x128xf32, #tpu.memory_space<hbm>> -> memref<1x632x128xf32, #tpu.memory_space<hbm>>
      %dma_start3A_25 = tpu.memref_squeeze %dma_start3A_24 : memref<1x632x128xf32, #tpu.memory_space<hbm>> -> memref<632x128xf32, #tpu.memory_space<hbm>>
      %dma_start3A_26 = arith.constant 0 : i32
      %dma_start3A_27 = tpu.memref_slice %arg8[%mul3A_0, %dma_start3A_26] : memref<10112x128xf32, #tpu.memory_space<vmem_shared>> -> memref<632x128xf32, #tpu.memory_space<vmem_shared>>
      tpu.enqueue_dma source(%dma_start3A_27 : memref<632x128xf32, #tpu.memory_space<vmem_shared>>) target(%dma_start3A_25 : memref<632x128xf32, #tpu.memory_space<hbm>>) target_semaphore(%run_scoped3A : memref<!tpu.dma_semaphore, #tpu.memory_space<semaphore_mem>>)
      %dma_wait3A = arith.constant 0 : i32
      %dma_wait3A_28 = tpu.memref_slice %arg5[%arg0, %mul3A_0, %dma_wait3A] : memref<2x10112x128xf32, #tpu.memory_space<hbm>> -> memref<1x632x128xf32, #tpu.memory_space<hbm>>
      %dma_wait3A_29 = tpu.memref_squeeze %dma_wait3A_28 : memref<1x632x128xf32, #tpu.memory_space<hbm>> -> memref<632x128xf32, #tpu.memory_space<hbm>>
      %dma_wait3A_30 = arith.constant 0 : i32
      %dma_wait3A_31 = tpu.memref_slice %arg8[%mul3A_0, %dma_wait3A_30] : memref<10112x128xf32, #tpu.memory_space<vmem_shared>> -> memref<632x128xf32, #tpu.memory_space<vmem_shared>>
      tpu.wait_dma2 semaphore(%run_scoped3A : memref<!tpu.dma_semaphore, #tpu.memory_space<semaphore_mem>>) src(%dma_wait3A_31 : memref<632x128xf32, #tpu.memory_space<vmem_shared>>) dst(%dma_wait3A_29 : memref<632x128xf32, #tpu.memory_space<hbm>>)
      tpu.yield
    }) : () -> ()
    return
  }
}

module attributes {stable_mosaic.version = 14 : i64} {
  func.func @body(%arg0: memref<10112x128xf32, #tpu.memory_space<vmem>>, %arg1: memref<128x128xf32, #tpu.memory_space<vmem>>, %arg2: memref<10112x128xf32, #tpu.memory_space<vmem>>) attributes {dimension_semantics = [], scalar_prefetch = 0 : i64, scratch_operands = 0 : i64, tpu.core_type = #tpu.core_type<tc>} {
    %get3A = arith.constant 0 : index
    %get3A_0 = arith.constant 0 : index
    %get3A_1 = vector.load %arg0[%get3A, %get3A_0] : memref<10112x128xf32, #tpu.memory_space<vmem>>, vector<10112x128xf32>
    %get3A_2 = arith.constant 0 : index
    %get3A_3 = arith.constant 0 : index
    %get3A_4 = vector.load %arg1[%get3A_2, %get3A_3] : memref<128x128xf32, #tpu.memory_space<vmem>>, vector<128x128xf32>
    %dot_general3A = arith.constant dense<0.000000e+00> : vector<10112x128xf32>
    %dot_general3A_5 = tpu.matmul %get3A_1, %get3A_4, %dot_general3A {dimension_numbers = #tpu.dot_dimension_numbers<[1], [0], [0], [1], [0, 0, 1, 1], [], []>, transpose_lhs_hint = false} : vector<10112x128xf32>, vector<128x128xf32>, vector<10112x128xf32> -> vector<10112x128xf32>
    %swap3A = arith.constant 0 : index
    %swap3A_6 = arith.constant 0 : index
    %swap3A_7 = vector.load %arg2[%swap3A, %swap3A_6] : memref<10112x128xf32, #tpu.memory_space<vmem>>, vector<10112x128xf32>
    tpu.vector_store %arg2[%swap3A, %swap3A_6], %dot_general3A_5 {strides = array<i32>} : memref<10112x128xf32, #tpu.memory_space<vmem>>, vector<10112x128xf32>,
    return
  }
}

module attributes {stable_mosaic.version = 14 : i64} {
  func.func @body(%arg0: memref<10112x128xf32, #tpu.memory_space<vmem>>, %arg1: memref<2x10112x128xf32, #tpu.memory_space<vmem>>, %arg2: memref<10112x128xf32, #tpu.memory_space<vmem>>, %arg3: memref<10112x1xf32, #tpu.memory_space<vmem>>) attributes {dimension_semantics = [], scalar_prefetch = 0 : i64, scratch_operands = 0 : i64, tpu.core_type = #tpu.core_type<tc>} {
    %get3A = arith.constant 0 : index
    %get3A_0 = arith.constant 0 : index
    %get3A_1 = arith.constant 0 : index
    %get3A_2 = vector.load %arg1[%get3A, %get3A_0, %get3A_1] : memref<2x10112x128xf32, #tpu.memory_space<vmem>>, vector<1x10112x1xf32>
    %get3A_3 = vector.shape_cast %get3A_2 : vector<1x10112x1xf32> to vector<10112x1xf32>
    %get3A_4 = arith.constant 1 : index
    %get3A_5 = arith.constant 0 : index
    %get3A_6 = arith.constant 0 : index
    %get3A_7 = vector.load %arg1[%get3A_4, %get3A_5, %get3A_6] : memref<2x10112x128xf32, #tpu.memory_space<vmem>>, vector<1x10112x1xf32>
    %get3A_8 = vector.shape_cast %get3A_7 : vector<1x10112x1xf32> to vector<10112x1xf32>
    %add3A = arith.addf %get3A_3, %get3A_8 : vector<10112x1xf32>
    %iota3A = tpu.iota {dimensions = array<i32: 0>} : vector<10112x1xi32>
    %gt3A = arith.constant 0.000000e+00 : f32
    %gt3A_9 = vector.broadcast %gt3A : f32 to vector<10112x1xf32>
    %gt3A_10 = arith.cmpf ogt, %add3A, %gt3A_9 : vector<10112x1xf32>
    %lt3A = arith.constant 10000 : i32
    %lt3A_11 = vector.broadcast %lt3A : i32 to vector<10112x1xi32>
    %lt3A_12 = arith.cmpi slt, %iota3A, %lt3A_11 : vector<10112x1xi32>
    %and3A = arith.andi %gt3A_10, %lt3A_12 : vector<10112x1xi1>
    %max3A = arith.constant 9.99999996E-13 : f32
    %max3A_13 = vector.broadcast %max3A : f32 to vector<10112x1xf32>
    %max3A_14 = arith.maximumf %add3A, %max3A_13 : vector<10112x1xf32>
    %rsqrt3A = math.rsqrt %max3A_14 : vector<10112x1xf32>
    %jit3A = arith.constant 0.000000e+00 : f32
    %broadcast_in_dim3A = vector.broadcast %jit3A : f32 to vector<10112x1xf32>
    %select_n3A = arith.select %and3A, %rsqrt3A, %broadcast_in_dim3A : vector<10112x1xi1>, vector<10112x1xf32>
    %get3A_15 = arith.constant 0 : index
    %get3A_16 = arith.constant 0 : index
    %get3A_17 = vector.load %arg0[%get3A_15, %get3A_16] : memref<10112x128xf32, #tpu.memory_space<vmem>>, vector<10112x128xf32>
    %mul3A = vector.broadcast %select_n3A : vector<10112x1xf32> to vector<10112x128xf32>
    %mul3A_18 = arith.mulf %get3A_17, %mul3A : vector<10112x128xf32>
    %swap3A = arith.constant 0 : index
    %swap3A_19 = arith.constant 0 : index
    %swap3A_20 = vector.load %arg2[%swap3A, %swap3A_19] : memref<10112x128xf32, #tpu.memory_space<vmem>>, vector<10112x128xf32>
    tpu.vector_store %arg2[%swap3A, %swap3A_19], %mul3A_18 {strides = array<i32>} : memref<10112x128xf32, #tpu.memory_space<vmem>>, vector<10112x128xf32>,
    %swap3A_21 = arith.constant 0 : index
    %swap3A_22 = arith.constant 0 : index
    %swap3A_23 = vector.load %arg3[%swap3A_21, %swap3A_22] : memref<10112x1xf32, #tpu.memory_space<vmem>>, vector<10112x1xf32>
    tpu.vector_store %arg3[%swap3A_21, %swap3A_22], %select_n3A {strides = array<i32>} : memref<10112x1xf32, #tpu.memory_space<vmem>>, vector<10112x1xf32>,
    return
  }
}

module attributes {stable_mosaic.version = 14 : i64} {
  func.func @body(%arg0: memref<2x10112x128xf32, #tpu.memory_space<vmem>>, %arg1: memref<10112x1xf32, #tpu.memory_space<vmem>>, %arg2: memref<1x128xf32, #tpu.memory_space<vmem>>, %arg3: memref<128x128xf32, #tpu.memory_space<vmem>>, %arg4: memref<10112x128xf32, #tpu.memory_space<vmem>>) attributes {dimension_semantics = [], scalar_prefetch = 0 : i64, scratch_operands = 0 : i64, tpu.core_type = #tpu.core_type<tc>} {
    %get3A = arith.constant 0 : index
    %get3A_0 = arith.constant 0 : index
    %get3A_1 = vector.load %arg1[%get3A, %get3A_0] : memref<10112x1xf32, #tpu.memory_space<vmem>>, vector<10112x1xf32>
    %get3A_2 = arith.constant 0 : index
    %get3A_3 = arith.constant 0 : index
    %get3A_4 = arith.constant 0 : index
    %get3A_5 = vector.load %arg0[%get3A_2, %get3A_3, %get3A_4] : memref<2x10112x128xf32, #tpu.memory_space<vmem>>, vector<1x10112x128xf32>
    %get3A_6 = vector.shape_cast %get3A_5 : vector<1x10112x128xf32> to vector<10112x128xf32>
    %get3A_7 = arith.constant 1 : index
    %get3A_8 = arith.constant 0 : index
    %get3A_9 = arith.constant 0 : index
    %get3A_10 = vector.load %arg0[%get3A_7, %get3A_8, %get3A_9] : memref<2x10112x128xf32, #tpu.memory_space<vmem>>, vector<1x10112x128xf32>
    %get3A_11 = vector.shape_cast %get3A_10 : vector<1x10112x128xf32> to vector<10112x128xf32>
    %add3A = arith.addf %get3A_6, %get3A_11 : vector<10112x128xf32>
    %mul3A = vector.broadcast %get3A_1 : vector<10112x1xf32> to vector<10112x128xf32>
    %mul3A_12 = arith.mulf %add3A, %mul3A : vector<10112x128xf32>
    %get3A_13 = arith.constant 0 : index
    %get3A_14 = arith.constant 0 : index
    %get3A_15 = vector.load %arg2[%get3A_13, %get3A_14] : memref<1x128xf32, #tpu.memory_space<vmem>>, vector<1x128xf32>
    %add3A_16 = vector.broadcast %get3A_15 : vector<1x128xf32> to vector<10112x128xf32>
    %add3A_17 = arith.addf %mul3A_12, %add3A_16 : vector<10112x128xf32>
    %max3A = arith.constant 0.000000e+00 : f32
    %max3A_18 = vector.broadcast %max3A : f32 to vector<10112x128xf32>
    %max3A_19 = arith.maximumf %add3A_17, %max3A_18 : vector<10112x128xf32>
    %get3A_20 = arith.constant 0 : index
    %get3A_21 = arith.constant 0 : index
    %get3A_22 = vector.load %arg3[%get3A_20, %get3A_21] : memref<128x128xf32, #tpu.memory_space<vmem>>, vector<128x128xf32>
    %dot_general3A = arith.constant dense<0.000000e+00> : vector<10112x128xf32>
    %dot_general3A_23 = tpu.matmul %max3A_19, %get3A_22, %dot_general3A {dimension_numbers = #tpu.dot_dimension_numbers<[1], [0], [0], [1], [0, 0, 1, 1], [], []>, transpose_lhs_hint = false} : vector<10112x128xf32>, vector<128x128xf32>, vector<10112x128xf32> -> vector<10112x128xf32>
    %mul3A_24 = vector.broadcast %get3A_1 : vector<10112x1xf32> to vector<10112x128xf32>
    %mul3A_25 = arith.mulf %dot_general3A_23, %mul3A_24 : vector<10112x128xf32>
    %swap3A = arith.constant 0 : index
    %swap3A_26 = arith.constant 0 : index
    %swap3A_27 = vector.load %arg4[%swap3A, %swap3A_26] : memref<10112x128xf32, #tpu.memory_space<vmem>>, vector<10112x128xf32>
    tpu.vector_store %arg4[%swap3A, %swap3A_26], %mul3A_25 {strides = array<i32>} : memref<10112x128xf32, #tpu.memory_space<vmem>>, vector<10112x128xf32>,
    return
  }
}

module attributes {stable_mosaic.version = 14 : i64} {
  func.func @body(%arg0: memref<2x10112x128xf32, #tpu.memory_space<vmem>>, %arg1: memref<10112x1xf32, #tpu.memory_space<vmem>>, %arg2: memref<1x128xf32, #tpu.memory_space<vmem>>, %arg3: memref<10000x128xf32, #tpu.memory_space<vmem>>) attributes {dimension_semantics = [], scalar_prefetch = 0 : i64, scratch_operands = 0 : i64, tpu.core_type = #tpu.core_type<tc>} {
    %get3A = arith.constant 0 : index
    %get3A_0 = arith.constant 0 : index
    %get3A_1 = arith.constant 0 : index
    %get3A_2 = vector.load %arg0[%get3A, %get3A_0, %get3A_1] : memref<2x10112x128xf32, #tpu.memory_space<vmem>>, vector<1x10000x128xf32>
    %get3A_3 = vector.shape_cast %get3A_2 : vector<1x10000x128xf32> to vector<10000x128xf32>
    %get3A_4 = arith.constant 1 : index
    %get3A_5 = arith.constant 0 : index
    %get3A_6 = arith.constant 0 : index
    %get3A_7 = vector.load %arg0[%get3A_4, %get3A_5, %get3A_6] : memref<2x10112x128xf32, #tpu.memory_space<vmem>>, vector<1x10000x128xf32>
    %get3A_8 = vector.shape_cast %get3A_7 : vector<1x10000x128xf32> to vector<10000x128xf32>
    %add3A = arith.addf %get3A_3, %get3A_8 : vector<10000x128xf32>
    %get3A_9 = arith.constant 0 : index
    %get3A_10 = arith.constant 0 : index
    %get3A_11 = vector.load %arg1[%get3A_9, %get3A_10] : memref<10112x1xf32, #tpu.memory_space<vmem>>, vector<10000x1xf32>
    %mul3A = vector.broadcast %get3A_11 : vector<10000x1xf32> to vector<10000x128xf32>
    %mul3A_12 = arith.mulf %add3A, %mul3A : vector<10000x128xf32>
    %get3A_13 = arith.constant 0 : index
    %get3A_14 = arith.constant 0 : index
    %get3A_15 = vector.load %arg2[%get3A_13, %get3A_14] : memref<1x128xf32, #tpu.memory_space<vmem>>, vector<1x128xf32>
    %add3A_16 = vector.broadcast %get3A_15 : vector<1x128xf32> to vector<10000x128xf32>
    %add3A_17 = arith.addf %mul3A_12, %add3A_16 : vector<10000x128xf32>
    %swap3A = arith.constant 0 : index
    %swap3A_18 = arith.constant 0 : index
    %swap3A_19 = vector.load %arg3[%swap3A, %swap3A_18] : memref<10000x128xf32, #tpu.memory_space<vmem>>, vector<10000x128xf32>
    tpu.vector_store %arg3[%swap3A, %swap3A_18], %add3A_17 {strides = array<i32>} : memref<10000x128xf32, #tpu.memory_space<vmem>>, vector<10000x128xf32>,
    return
  }
}

</mosaic_0001>

<sc_bundles>
// kernel: kernel.12.cloned.1.call-start
scs
__scs_entry_jumppad:
0x0: {  	(pc) =	sbr.rel $0x88, $3  }
0x1: {  	(tag) =	ssettag $0x0;
	lr =	simm.s32 $0x1  }
0x2: {  	[smem:$0x3F9B] =	sst lr;
	_ =	strace $0xD0000000  }
0x3: {  	_ = 	snop  }
0x4: {  	_ = 	snop  }
0x5: {  	_ = 	snop  }
0x6: {  	_ = 	snop  }
0x7: {  	_ = 	snop  }
__scs_overlays_trampoline_lowered:
0x8: {  	[smem:$0x3FAA] =	sst s0  }
0x9: {  	[smem:$0x3FAB] =	sst s1  }
0xa: {  	[smem:$0x3FAC] =	sst s2  }
0xb: {  	[smem:$0x3FAD] =	sst s3  }
0xc: {  	[smem:$0x3FAE] =	sst s4  }
0xd: {  	[smem:$0x3FAF] =	sst s5  }
0xe: {  	[smem:$0x3FB0] =	sst s6  }
0xf: {  	[smem:$0x3FB1] =	sst s7  }
0x10: {  	[smem:$0x3FB2] =	sst s8  }
0x11: {  	[smem:$0x3FB3] =	sst s9;
	s0 =	simm.s32 @!p0 $0x0  }
0x12: {  	s1 =	sld [smem:$0x3F99];
	s0 =	simm.s32 @p0 $0x1  }
0x13: {  	[smem:$0x3FB4] =	sst s0;
	s0 =	simm.s32 @!p1 $0x0  }
0x14: {  	s2 =	sld [smem:$0x3F98];
	s0 =	simm.s32 @p1 $0x1  }
0x15: {  	[smem:$0x3FB5] =	sst s0;
	s0 =	simm.s32 @!p2 $0x0  }
0x16: {  	s3 =	sld [smem:$0x3FDB];
	s0 =	simm.s32 @p2 $0x1  }
0x17: {  	s4 =	simm.s32 $0x1BF5;
	[smem:$0x3FB7] =	sst s0  }
0x18: {  	s0 =	sld [smem:$0x3F9A];
	_ =	swait.ge [sflag:s4], $0x0  }
0x19: {  	s7 =	sld [smem:$0x3F9B]  }
0x1a: {  	s8 =	sadd.s32 $0xFFFFE003, lr  }
0x1b: {  	s9 =	sadd.s32 $0xFFFFFEF7, lr;
	s5 =	simm.s32 $0xFFFFFFFF;
	p2 =	slt.u32 s8, $0xFFFFF086  }
0x1c: {  	p1 =	slt.u32 s9, $0xF7A;
	s5 =	simm.s32 @!p2 $0x0  }
0x1d: {  	s5 =	simm.s32 @p1 $0x1;
	p0 =	seq.s32 s7, s2  }
0x1e: {  	s7 =	smul.u32 @!p0 $0xF7A, s2;
	p2 =	seq.s32 @!p0 s5, $0x0  }
0x1f: {  	s9 =	smul.u32 $0xF7A, s1;
	s8 =	simm.s32 @!p0 $0x1BF5;
	p2 =	por !p2, p0  }
0x20: {  	[sflag:s8] =	ssyncset.s32 @!p0 $0xFFFFF086;
	s6 =	sadd.s32 @!p0 s3, s7;
	s7 =	simm.s32 @!p0 $0x108  }
0x21: {  	s3 =	sadd.s32 s3, s9;
	s6 =	sadd.s32 @!p0 $0x88, s6;
	s7 =	simm.s32 @p2 $0x1082  }
0x22: {  	[simem:s7], [sflag:s8] =	dma.local @!p0 [hbm:s6], $0xF7A  }
0x23: {  	s9 =	sor.u32 $0xD0000000, s2;
	s6 =	simm.s32 $0x108;
	_ =	swait.ge @!p0 [sflag:s8], $0x0  }
0x24: {  	s3 =	sadd.s32 $0x88, s3;
	s6 =	simm.s32 @!p1 $0x1082;
	[sflag:s4] =	ssyncset.s32 $0xFFFFF086  }
0x25: {  	[simem:s6], [sflag:s4] =	dma.local [hbm:s3], $0xF7A  }
0x26: {  	[smem:$0x3F9B] =	sst s1;
	(tag) =	ssettag s2;
	_ =	strace s9  }
0x27: {  	s1 =	sld [smem:$0x3FAB]  }
0x28: {  	s2 =	sld [smem:$0x3FAC]  }
0x29: {  	s4 =	sld [smem:$0x3FAE]  }
0x2a: {  	p0 =	seq.s32 s5, $0x0;
	s5 =	sld [smem:$0x3FAF]  }
0x2b: {  	s6 =	sld [smem:$0x3FB0]  }
0x2c: {  	s7 =	sld [smem:$0x3FB1]  }
0x2d: {  	s3 =	simm.s32 $0x108;
	s8 =	sld [smem:$0x3FB2]  }
0x2e: {  	s3 =	simm.s32 @!p0 $0x1082;
	s9 =	sld [smem:$0x3FB3]  }
0x2f: {  	lr =	sadd.s32 s0, s3;
	s0 =	sld [smem:$0x3FAA]  }
0x30: {  	s3 =	sld [smem:$0x3FAD]  }
0x31: {  	[smem:$0x3FB6] =	sst s10  }
0x32: {  	s10 =	sld [smem:$0x3FB4];
	_ =	sdelay $0x3  }
0x33: {  	p0 =	seq.s32 s10, $0x1;
	s10 =	sld [smem:$0x3FB6];
	_ =	sdelay $0x3  }
0x34: {  	[smem:$0x3FB6] =	sst s10  }
0x35: {  	s10 =	sld [smem:$0x3FB5];
	_ =	sdelay $0x3  }
0x36: {  	p1 =	seq.s32 s10, $0x1;
	s10 =	sld [smem:$0x3FB6];
	_ =	sdelay $0x3  }
0x37: {  	[smem:$0x3FB6] =	sst s10  }
0x38: {  	s10 =	sld [smem:$0x3FB7]  }
0x39: {  	_ = 	snop;
	(pc) =	sbr.ind lr, $3  }
0x3a: {  	_ = 	snop  }
0x3b: {  	_ = 	snop  }
0x3c: {  	p2 =	seq.s32 s10, $0x1;
	s10 =	sld [smem:$0x3FB6]  }
0x3d: {  	_ =	shalt  }
0x3e: {  	_ =	shalt  }
0x3f: {  	_ =	shalt  }
0x40: {  	_ =	shalt  }
0x41: {  	_ =	shalt  }
0x42: {  	_ =	shalt  }
0x43: {  	_ =	shalt  }
0x44: {  	_ =	shalt  }
0x45: {  	_ =	shalt  }
0x46: {  	_ =	shalt  }
0x47: {  	_ =	shalt  }
0x48: {  	_ =	shalt  }
0x49: {  	_ =	shalt  }
0x4a: {  	_ =	shalt  }
0x4b: {  	_ =	shalt  }
0x4c: {  	_ =	shalt  }
0x4d: {  	_ =	shalt  }
0x4e: {  	_ =	shalt  }
0x4f: {  	_ =	shalt  }
0x50: {  	_ =	shalt  }
0x51: {  	_ =	shalt  }
0x52: {  	_ =	shalt  }
0x53: {  	_ =	shalt  }
0x54: {  	_ =	shalt  }
0x55: {  	_ =	shalt  }
0x56: {  	_ =	shalt  }
0x57: {  	_ =	shalt  }
0x58: {  	_ =	shalt  }
0x59: {  	_ =	shalt  }
0x5a: {  	_ =	shalt  }
0x5b: {  	_ =	shalt  }
0x5c: {  	_ =	shalt  }
0x5d: {  	_ =	shalt  }
0x5e: {  	_ =	shalt  }
0x5f: {  	_ =	shalt  }
0x60: {  	_ =	shalt  }
0x61: {  	_ =	shalt  }
0x62: {  	_ =	shalt  }
0x63: {  	_ =	shalt  }
0x64: {  	_ =	shalt  }
0x65: {  	_ =	shalt  }
0x66: {  	_ =	shalt  }
0x67: {  	_ =	shalt  }
0x68: {  	_ =	shalt  }
0x69: {  	_ =	shalt  }
0x6a: {  	_ =	shalt  }
0x6b: {  	_ =	shalt  }
0x6c: {  	_ =	shalt  }
0x6d: {  	_ =	shalt  }
0x6e: {  	_ =	shalt  }
0x6f: {  	_ =	shalt  }
0x70: {  	_ =	shalt  }
0x71: {  	_ =	shalt  }
0x72: {  	_ =	shalt  }
0x73: {  	_ =	shalt  }
0x74: {  	_ =	shalt  }
0x75: {  	_ =	shalt  }
0x76: {  	_ =	shalt  }
0x77: {  	_ =	shalt  }
0x78: {  	_ =	shalt  }
0x79: {  	_ =	shalt  }
0x7a: {  	_ =	shalt  }
0x7b: {  	_ =	shalt  }
0x7c: {  	_ =	shalt  }
0x7d: {  	_ =	shalt  }
0x7e: {  	_ =	shalt  }
0x7f: {  	_ =	shalt  }
0x80: {  	_ =	shalt  }
0x81: {  	_ =	shalt  }
0x82: {  	_ =	shalt  }
0x83: {  	_ =	shalt  }
0x84: {  	_ =	shalt  }
0x85: {  	_ =	shalt  }
0x86: {  	_ =	shalt  }
0x87: {  	_ =	shalt  }
.Lfunc_end0:
.L_simem_size_0:
called_computation.1_lowered:
.L_overlay_start_0:
0x88: {  	s2 =	sld [smem:$0x3FD9]  }
0x89: {  	s3 =	sld [smem:$0x3FFE];
	_ =	sdelay $0x1  }
0x8a: {  	s1 =	srdreg.scid  }
0x8b: {  	s0 =	sand.u32 $0x1, s1  }
0x8c: {  	s17 =	sshll.u32 s0, $0xA;
	s2 =	sadd.s32 s3, s2  }
0x8d: {  	s2 =	sadd.s32 s2, s17  }
0x8e: {  	[smem:$0x3FC2] =	sst s2  }
0x8f: {  	_ = 	snop  }
0x90: {  	s2 =	sld [smem:$0x3FD0];
	(tm) =	ssettm $0x1  }
0x91: {  	s18 =	sld [smem:$0x3FFB];
	_ =	sdelay $0x3  }
0x92: {  	_ =	strace s18  }
0x93: {  	s3 =	sld [smem:$0x3FFC];
	_ =	sdelay $0x3  }
0x94: {  	_ =	strace s3  }
0x95: {  	s3 =	sld [smem:$0x3FFD];
	_ =	sdelay $0x3  }
0x96: {  	_ =	strace s3  }
0x97: {  	_ =	strace $0x8FFFFFFF  }
0x98: {  	s19 =	sld [smem:$0x3FDB];
	_ =	sdelay $0x1  }
0x99: {  	s4 =	simm.s32 $_scs_section_size  }
0x9a: {  	s5 =	simm.s32 $_size__tile_overlayer_lowered;
	s6 =	simm.s32 $_tile_overlayer_lowered  }
0x9b: {  	s22 =	simm.s32 $0x1BFF;
	s21 =	sshll.u32 s6, $0x1;
	s3 =	sadd.s32 s4, s19  }
0x9c: {  	s7 =	simm.s32 $0x0;
	s20 =	sshll.u32 s5, $0x1;
	s5 =	sadd.s32 s21, s3  }
0x9d: {  	[timem:s7], [sflag:s22] =	dma.local [hbm:s5], s20  }
0x9e: {  	_ =	swait.ge [sflag:s22], s20  }
0x9f: {  	s4 =	ssub.s32 $0x0, s20;
	[sflag:s22] =	ssyncset.done $0x0  }
0xa0: {  	[sflag:s22] =	ssyncadd.s32 s4;
	_ =	sdelay $0x1  }
0xa1: {  	s23 =	simm.s32 $0x1B8B  }
0xa2: {  	_ =	swait.ge [sflag:s23], $0x1  }
0xa3: {  	[sflag:s23] =	ssyncset.done $0x0  }
0xa4: {  	s25 =	simm.s32 $0x1B8E;
	s24 =	sld [smem:$0x3FFE];
	[sflag:s23] =	ssyncadd.s32 $0xFFFFFFFF  }
0xa5: {  	s26 =	simm.s32 $execute0_lowered;
	[smem:$0x3FD2] =	sst s25  }
0xa6: {  	s5 =	sshll.u32 s26, $0x1;
	_ =	strace $0x80000049;
	[dreg:$0x1] =	wrdreg $0xFFFFFFFF  }
0xa7: {  	s28 =	simm.s32 $_size_execute0_lowered;
	s3 =	sadd.s32 s3, s5;
	[dreg:$0x0] =	wrdreg $0x0  }
0xa8: {  	s5 =	sshll.u32 s28, $0x1;
	[dreg:$0x2] =	wrdreg s3  }
0xa9: {  	[dreg:$0x3] =	wrdreg s5  }
0xaa: {  	[dreg:$0x4] =	wrdreg $0xC0  }
0xab: {  	_ =	task [dreg:s7], $0x5FFFF  }
0xac: {  	[dreg:$0x1] =	wrdreg $0xFFFFFFFF  }
0xad: {  	[dreg:$0x0] =	wrdreg $0x60  }
0xae: {  	[dreg:$0x2] =	wrdreg s24  }
0xaf: {  	[dreg:$0x3] =	wrdreg s2  }
0xb0: {  	[dreg:$0x4] =	wrdreg $0x74000  }
0xb1: {  	[dreg:$0x5] =	wrdreg $0x9  }
0xb2: {  	_ =	task.clear_ibuf [dreg:s7], $0x6FFFF;
	_ =	strace $0x90000049  }
0xb3: {  	s29 =	simm.s32 $0x9;
	_ =	strace $0x8000004B  }
0xb4: {  	_ =	swait.ge [sflag:s29], $0x1  }
0xb5: {  	[sflag:s29] =	ssyncadd.s32 $0xFFFFFFFF  }
0xb6: {  	_ =	strace $0x9000004B  }
0xb7: {  	_ =	sfence  }
0xb8: {  	s30 =	sld [smem:$0x0];
	_ =	sdelay $0x2  }
0xb9: {  	s31 =	sshll.u32 s1, $0xD;
	s1 =	sshrl.u32 s1, $0x2  }
0xba: {  	s3 =	sand.u32 $0x4000, s31;
	s1 =	sadd.s32 s1, s30  }
0xbb: {  	s0 =	sor.u32 s3, s0;
	s1 =	sshll.u32 s1, $0x11  }
0xbc: {  	s0 =	sor.u32 s1, s0  }
0xbd: {  	s0 =	sadd.s32 $0x8F2B, s0  }
0xbe: {  	[sflag:s0] =	ssyncadd.remote.s32 $0x1  }
0xbf: {  	_ =	sfence.sel $0xFFFF  }
0xc0: {  	[dreg:$0x0] =	wrdreg $0xFFFFFFFF;
	(pc) =	sbr.abs _section_cstart, $3  }
0xc1: {  	[dreg:$0x1] =	wrdreg $0xFFFFFFFF  }
0xc2: {  	_ =	task.clear_ibuf [dreg:s7], $0x2FFFF;
	_ =	strace $0x9FFFFFFF  }
0xc3: {  	(tm) =	ssettm $0x7FFFFFFF  }
tec
execute0_lowered:
.L_overlay_start_1:
0x0: {  	(tag) =	ssettag $0x1  }
0x1: {  	s5 =	rddreg [dreg:$0x0]  }
0x2: {  	s10 =	rddreg [dreg:$0x1]  }
0x3: {  	s2 =	rddreg [dreg:$0x2]  }
0x4: {  	s0 =	rddreg [dreg:$0x3]  }
0x5: {  	s3 =	simm.s32 $0x0;
	s1 =	stileid.u32;
	s4 =	srdreg.scid  }
0x6: {  	s17 =	simm.s32 $0x3C00;
	s18 =	simm.s32 $0x80;
	s6 =	smul.u32 $0x13C00, s1  }
0x7: {  	s19 =	simm.s32 $0x2;
	s20 =	simm.s32 $0x200;
	s25 =	smul.u32 $0x4F000, s1  }
0x8: {  	s21 =	simm.s32 $0x180;
	s7 =	sand.u32 $0x1, s4;
	s15 =	smul.u32 $0xB400, s1  }
0x9: {  	s22 =	simm.s32 $0x300;
	s23 =	simm.s32 $0x280;
	s8 =	smul.u32 $0x13C000, s7  }
0xa: {  	s24 =	simm.s32 $0x380;
	[smem:$0x7FF] =	sst s3;
	s11 =	smul.u32 $0x16, s7  }
0xb: {  	s4 =	sadd.s32 $0x2A000, s5;
	s29 =	sshll.u32 s1, $0x6;
	s13 =	smul.u32 $0x17, s7  }
0xc: {  	_ =	strace $0x8000004A;
	s12 =	ssub.s32 $0x2, s7;
	s7 =	smul.u32 $0x5800, s7  }
0xd: {  	s9 =	sshrl.u32 s6, $0x3;
	s26 =	sshrl.u32 s12, $0x1;
	s28 =	sshrl.u32 s25, $0x2  }
0xe: {  	s25 =	simm.s32 $0x0;
	s9 =	sadd.s32 s9, s5;
	s6 =	sadd.s32 s6, s8  }
0xf: {  	s12 =	ssub.s32 s12, s26;
	s16 =	sadd.s32 s28, s2;
	s13 =	sadd.s32 $0x16, s13  }
0x10: {  	s30 =	sadd.s32 s7, s15;
	s15 =	simm.s32 $0x1;
	s6 =	sshrl.u32 s6, $0x3  }
.Ltmp0:
0x11: {  	s7 =	ssub.s32 s13, s11;
	s31 =	sshrl.u32 s30, $0x3;
	(pc) =	sbr.rel .LBB2_1-.Ltmp0, $4  }
0x12: {  	p0 =	seq.s32 s13, s11;
	s11 =	sshrl.u32 s16, $0x3;
	s13 =	simm.s32 $0x70  }
0x13: {  	s16 =	simm.s32 $0x100;
	s14 =	sadd.s32 s6, s5;
	s5 =	sadd.s32 $0x2800, s9  }
0x14: {  	s6 =	sor.u32 $0x1C03, s29;
	s9 =	smax.u32 s12, $0x1;
	s10 =	sadd.s32 s31, s10  }
0x15: {  	s12 =	simm.s32 $0x3;
	s8 =	sadd.s32 $0x51800, s14;
	s14 =	simm.s32 $0x400  }
.LBB2_4:
0x16: {  	[sflag:s12] =	ssyncadd.s32 $0xFFFFC800  }
.LBB2_5:
0x17: {  	s25 =	sadd.s32 $0x1, s25  }
0x18: {  	p1 =	sne.s32 s25, s9  }
.Ltmp1:
0x19: {  	[bflag:$0x0] =	sbarrier.arrive $0xFFFF;
	(pc) =	sbr.rel @!p1 .LBB2_6-.Ltmp1, $4  }
0x1a: {  	[hbm:s8], [sflag:s6] =	dma.local [spmem:s11], $0x2780  }
0x1b: {  	_ =	swait.ge [sflag:s12], $0x2780  }
0x1c: {  	[sflag:s12] =	ssyncset.done $0x0  }
0x1d: {  	[sflag:s12] =	ssyncadd.s32 $0xFFFFD880  }
.LBB2_1:
0x1e: {  	[spmem:s11], [sflag:s6] =	dma.local [hbm:s5], $0x2780  }
.Ltmp2:
0x1f: {  	_ =	swait.ge [sflag:s12], $0x2780;
	(pc) =	sbr.rel @p0 .LBB2_5-.Ltmp2, $3  }
0x20: {  	[sflag:s12] =	ssyncset.done $0x0  }
0x21: {  	[sflag:s12] =	ssyncadd.s32 $0xFFFFD880  }
0x22: {  	[bflag:$0x0] =	sbarrier.arrive $0xFFFF;
	_ =	sdelay $0x1  }
0x23: {  	[tilespmem:s3], [sflag:$0x3] =	stream.linear.gather [hbm4b:s10+s3], $0x400, $0x38;
	[tilespmem:$0x1B000] =	vst v63  }
0x24: {  	_ =	swait.ge [sflag:s12], $0x400  }
0x25: {  	[sflag:s12] =	ssyncset.done $0x0  }
0x26: {  	[sflag:s12] =	ssyncadd.s32 $0xFFFFFC00  }
0x27: {  	[tilespmem:s14], [sflag:$0x1] =	stream.indirect.gather [hbm4b:s4+s13], $0x80, s3, s13, $0xb8;
	[tilespmem:$0x1B000] =	vst v63  }
0x28: {  	_ =	swait.ge [sflag:s15], $0x3800  }
0x29: {  	[sflag:s15] =	ssyncset.done $0x0  }
0x2a: {  	[sflag:s15] =	ssyncadd.s32 $0xFFFFC800  }
0x2b: {  	[tilespmem:s17], [sflag:$0x2] =	stream.indirect.gather [hbm4b:s4+s13], $0x80, s16, s13, $0xb8;
	[tilespmem:$0x1B000] =	vst v63  }
0x2c: {  	_ = 	snop  }
0x2d: {  	[spmem:s2] =	stream.indirect.scatter.add.f32 [tilespmem:s14], [sflag:$0x3], $0x80, s18, s13, $0xb8;
	[tilespmem:$0x1B000] =	vst v63  }
0x2e: {  	_ =	swait.ge [sflag:s12], $0x3800  }
0x2f: {  	[sflag:s12] =	ssyncset.done $0x0  }
0x30: {  	[sflag:s12] =	ssyncadd.s32 $0xFFFFC800  }
0x31: {  	_ =	swait.ge [sflag:s19], $0x3800  }
0x32: {  	[sflag:s19] =	ssyncset.done $0x0  }
0x33: {  	[sflag:s19] =	ssyncadd.s32 $0xFFFFC800  }
0x34: {  	[tilespmem:s14], [sflag:$0x1] =	stream.indirect.gather [hbm4b:s4+s13], $0x80, s20, s13, $0xb8;
	[tilespmem:$0x1B000] =	vst v63  }
0x35: {  	_ = 	snop  }
0x36: {  	[spmem:s2] =	stream.indirect.scatter.add.f32 [tilespmem:s17], [sflag:$0x3], $0x80, s21, s13, $0xb8;
	[tilespmem:$0x1B000] =	vst v63  }
0x37: {  	_ =	swait.ge [sflag:s12], $0x3800  }
0x38: {  	[sflag:s12] =	ssyncset.done $0x0  }
0x39: {  	[sflag:s12] =	ssyncadd.s32 $0xFFFFC800  }
0x3a: {  	_ =	swait.ge [sflag:s15], $0x3800  }
0x3b: {  	[sflag:s15] =	ssyncset.done $0x0  }
0x3c: {  	[sflag:s15] =	ssyncadd.s32 $0xFFFFC800  }
0x3d: {  	[tilespmem:s17], [sflag:$0x2] =	stream.indirect.gather [hbm4b:s4+s13], $0x80, s22, s13, $0xb8;
	[tilespmem:$0x1B000] =	vst v63  }
0x3e: {  	_ = 	snop  }
0x3f: {  	[spmem:s2] =	stream.indirect.scatter.add.f32 [tilespmem:s14], [sflag:$0x3], $0x80, s23, s13, $0xb8;
	[tilespmem:$0x1B000] =	vst v63  }
0x40: {  	_ =	swait.ge [sflag:s12], $0x3800  }
0x41: {  	[sflag:s12] =	ssyncset.done $0x0  }
0x42: {  	[sflag:s12] =	ssyncadd.s32 $0xFFFFC800  }
0x43: {  	p1 =	sne.s32 s7, $0x1;
	_ =	swait.ge [sflag:s19], $0x3800  }
.Ltmp3:
0x44: {  	[sflag:s19] =	ssyncset.done $0x0;
	(pc) =	sbr.rel @!p1 .LBB2_4-.Ltmp3, $4  }
0x45: {  	[sflag:s19] =	ssyncadd.s32 $0xFFFFC800  }
0x46: {  	[spmem:s2] =	stream.indirect.scatter.add.f32 [tilespmem:s17], [sflag:$0x3], $0x80, s24, s13, $0xb8;
	[tilespmem:$0x1B000] =	vst v63  }
0x47: {  	_ =	swait.ge [sflag:s12], $0x3800  }
0x48: {  	s26 =	sadd.s32 $0xFFFFFFFF, s7;
	s28 =	smov.u32 s10;
	[sflag:s12] =	ssyncset.done $0x0  }
.LBB2_3:
0x49: {  	p1 =	sne.s32 s26, $0x1;
	[sflag:s12] =	ssyncadd.s32 $0xFFFFC800;
	s28 =	sadd.s32 $0x80, s28  }
0x4a: {  	[tilespmem:s3], [sflag:$0x3] =	stream.linear.gather [hbm4b:s28+s3], $0x400, $0x38;
	[tilespmem:$0x1B000] =	vst v63  }
0x4b: {  	s26 =	sadd.s32 $0xFFFFFFFF, s26;
	_ =	swait.ge [sflag:s12], $0x400  }
0x4c: {  	[sflag:s12] =	ssyncset.done $0x0  }
0x4d: {  	[sflag:s12] =	ssyncadd.s32 $0xFFFFFC00  }
0x4e: {  	[tilespmem:s14], [sflag:$0x1] =	stream.indirect.gather [hbm4b:s4+s13], $0x80, s3, s13, $0xb8;
	[tilespmem:$0x1B000] =	vst v63  }
0x4f: {  	_ =	swait.ge [sflag:s15], $0x3800  }
0x50: {  	[sflag:s15] =	ssyncset.done $0x0  }
0x51: {  	[sflag:s15] =	ssyncadd.s32 $0xFFFFC800  }
0x52: {  	[tilespmem:s17], [sflag:$0x2] =	stream.indirect.gather [hbm4b:s4+s13], $0x80, s16, s13, $0xb8;
	[tilespmem:$0x1B000] =	vst v63  }
0x53: {  	_ = 	snop  }
0x54: {  	[spmem:s2] =	stream.indirect.scatter.add.f32 [tilespmem:s14], [sflag:$0x3], $0x80, s18, s13, $0xb8;
	[tilespmem:$0x1B000] =	vst v63  }
0x55: {  	_ =	swait.ge [sflag:s12], $0x3800  }
0x56: {  	[sflag:s12] =	ssyncset.done $0x0  }
0x57: {  	[sflag:s12] =	ssyncadd.s32 $0xFFFFC800  }
0x58: {  	_ =	swait.ge [sflag:s19], $0x3800  }
0x59: {  	[sflag:s19] =	ssyncset.done $0x0  }
0x5a: {  	[sflag:s19] =	ssyncadd.s32 $0xFFFFC800  }
0x5b: {  	[tilespmem:s14], [sflag:$0x1] =	stream.indirect.gather [hbm4b:s4+s13], $0x80, s20, s13, $0xb8;
	[tilespmem:$0x1B000] =	vst v63  }
0x5c: {  	_ = 	snop  }
0x5d: {  	[spmem:s2] =	stream.indirect.scatter.add.f32 [tilespmem:s17], [sflag:$0x3], $0x80, s21, s13, $0xb8;
	[tilespmem:$0x1B000] =	vst v63  }
0x5e: {  	_ =	swait.ge [sflag:s12], $0x3800  }
0x5f: {  	[sflag:s12] =	ssyncset.done $0x0  }
0x60: {  	[sflag:s12] =	ssyncadd.s32 $0xFFFFC800  }
0x61: {  	_ =	swait.ge [sflag:s15], $0x3800  }
0x62: {  	[sflag:s15] =	ssyncset.done $0x0  }
0x63: {  	[sflag:s15] =	ssyncadd.s32 $0xFFFFC800  }
0x64: {  	[tilespmem:s17], [sflag:$0x2] =	stream.indirect.gather [hbm4b:s4+s13], $0x80, s22, s13, $0xb8;
	[tilespmem:$0x1B000] =	vst v63  }
0x65: {  	_ = 	snop  }
0x66: {  	[spmem:s2] =	stream.indirect.scatter.add.f32 [tilespmem:s14], [sflag:$0x3], $0x80, s23, s13, $0xb8;
	[tilespmem:$0x1B000] =	vst v63  }
0x67: {  	_ =	swait.ge [sflag:s12], $0x3800  }
0x68: {  	[sflag:s12] =	ssyncset.done $0x0  }
0x69: {  	[sflag:s12] =	ssyncadd.s32 $0xFFFFC800  }
0x6a: {  	_ =	swait.ge [sflag:s19], $0x3800  }
.Ltmp4:
0x6b: {  	[sflag:s19] =	ssyncset.done $0x0;
	(pc) =	sbr.rel @p1 .LBB2_3-.Ltmp4, $4  }
0x6c: {  	[sflag:s19] =	ssyncadd.s32 $0xFFFFC800  }
0x6d: {  	[spmem:s2] =	stream.indirect.scatter.add.f32 [tilespmem:s17], [sflag:$0x3], $0x80, s24, s13, $0xb8;
	[tilespmem:$0x1B000] =	vst v63  }
0x6e: {  	_ =	swait.ge [sflag:s12], $0x3800  }
0x6f: {  	[sflag:s12] =	ssyncset.done $0x0  }
.Ltmp5:
0x70: {  	_ = 	snop;
	(pc) =	sbr.rel .LBB2_4-.Ltmp5, $1  }
0x71: {  	_ =	sdelay $0x3  }
.LBB2_6:
0x72: {  	_ =	sfence.sel $0x180000  }
0x73: {  	[bflag:$0x0] =	sbarrier.arrive $0xFFFF  }
0x74: {  	p0 =	sne.s32 s1, $0x0;
	_ =	strace $0x9000004A  }
0x75: {  	s0 =	sadd.s32 @!p0 $0x100000, s0;
	[bflag:$0x2] =	sbarrier.arrive $0xFFFF  }
0x76: {  	[sflag:s0] =	ssyncadd.tile.s32 @!p0 $0x1;
	_ =	shalt  }
.Lfunc_end2:
_tile_overlayer_lowered:
.L_overlay_start_2:
0x77: {  	(tag) =	ssettag $0x2  }
0x78: {  	s0 =	rddreg [dreg:$0x0];
	s2 =	stileid.u32  }
0x79: {  	s1 =	rddreg [dreg:$0x1];
	p0 =	sne.s32 s2, $0x0  }
0x7a: {  	s3 =	rddreg [dreg:$0x2];
	[bflag:$0x3] =	sbarrier.arrive $0xFFFF;
	s2 =	simm.s32 @!p0 $0x1C03  }
0x7b: {  	[timem:s3], [sflag:s2] =	dma.local @!p0 [hbm:s0], s1  }
0x7c: {  	s0 =	simm.s32 @!p0 $0x3  }
0x7d: {  	_ =	swait.ge @!p0 [sflag:s0], s1  }
0x7e: {  	s1 =	ssub.s32 @!p0 $0x0, s1;
	[sflag:s0] =	ssyncset.done @!p0 $0x0  }
0x7f: {  	[sflag:s0] =	ssyncadd.s32 @!p0 s1  }
0x80: {  	[bflag:$0x3] =	sbarrier.arrive $0xFFFF  }
0x81: {  	_ =	shalt  }

// kernel: kernel.15.cloned.1.call-start
scs
__scs_entry_jumppad:
0x0: {  	(pc) =	sbr.rel $0x88, $3  }
0x1: {  	(tag) =	ssettag $0x0;
	lr =	simm.s32 $0x1  }
0x2: {  	[smem:$0x3F9B] =	sst lr;
	_ =	strace $0xD0000000  }
0x3: {  	_ = 	snop  }
0x4: {  	_ = 	snop  }
0x5: {  	_ = 	snop  }
0x6: {  	_ = 	snop  }
0x7: {  	_ = 	snop  }
__scs_overlays_trampoline_lowered:
0x8: {  	[smem:$0x3FAA] =	sst s0  }
0x9: {  	[smem:$0x3FAB] =	sst s1  }
0xa: {  	[smem:$0x3FAC] =	sst s2  }
0xb: {  	[smem:$0x3FAD] =	sst s3  }
0xc: {  	[smem:$0x3FAE] =	sst s4  }
0xd: {  	[smem:$0x3FAF] =	sst s5  }
0xe: {  	[smem:$0x3FB0] =	sst s6  }
0xf: {  	[smem:$0x3FB1] =	sst s7  }
0x10: {  	[smem:$0x3FB2] =	sst s8  }
0x11: {  	[smem:$0x3FB3] =	sst s9;
	s0 =	simm.s32 @!p0 $0x0  }
0x12: {  	s1 =	sld [smem:$0x3F99];
	s0 =	simm.s32 @p0 $0x1  }
0x13: {  	[smem:$0x3FB4] =	sst s0;
	s0 =	simm.s32 @!p1 $0x0  }
0x14: {  	s2 =	sld [smem:$0x3F98];
	s0 =	simm.s32 @p1 $0x1  }
0x15: {  	[smem:$0x3FB5] =	sst s0;
	s0 =	simm.s32 @!p2 $0x0  }
0x16: {  	s3 =	sld [smem:$0x3FDB];
	s0 =	simm.s32 @p2 $0x1  }
0x17: {  	s4 =	simm.s32 $0x1BF5;
	[smem:$0x3FB7] =	sst s0  }
0x18: {  	s0 =	sld [smem:$0x3F9A];
	_ =	swait.ge [sflag:s4], $0x0  }
0x19: {  	s7 =	sld [smem:$0x3F9B]  }
0x1a: {  	s8 =	sadd.s32 $0xFFFFE003, lr  }
0x1b: {  	s9 =	sadd.s32 $0xFFFFFEF7, lr;
	s5 =	simm.s32 $0xFFFFFFFF;
	p2 =	slt.u32 s8, $0xFFFFF086  }
0x1c: {  	p1 =	slt.u32 s9, $0xF7A;
	s5 =	simm.s32 @!p2 $0x0  }
0x1d: {  	s5 =	simm.s32 @p1 $0x1;
	p0 =	seq.s32 s7, s2  }
0x1e: {  	s7 =	smul.u32 @!p0 $0xF7A, s2;
	p2 =	seq.s32 @!p0 s5, $0x0  }
0x1f: {  	s9 =	smul.u32 $0xF7A, s1;
	s8 =	simm.s32 @!p0 $0x1BF5;
	p2 =	por !p2, p0  }
0x20: {  	[sflag:s8] =	ssyncset.s32 @!p0 $0xFFFFF086;
	s6 =	sadd.s32 @!p0 s3, s7;
	s7 =	simm.s32 @!p0 $0x108  }
0x21: {  	s3 =	sadd.s32 s3, s9;
	s6 =	sadd.s32 @!p0 $0x88, s6;
	s7 =	simm.s32 @p2 $0x1082  }
0x22: {  	[simem:s7], [sflag:s8] =	dma.local @!p0 [hbm:s6], $0xF7A  }
0x23: {  	s9 =	sor.u32 $0xD0000000, s2;
	s6 =	simm.s32 $0x108;
	_ =	swait.ge @!p0 [sflag:s8], $0x0  }
0x24: {  	s3 =	sadd.s32 $0x88, s3;
	s6 =	simm.s32 @!p1 $0x1082;
	[sflag:s4] =	ssyncset.s32 $0xFFFFF086  }
0x25: {  	[simem:s6], [sflag:s4] =	dma.local [hbm:s3], $0xF7A  }
0x26: {  	[smem:$0x3F9B] =	sst s1;
	(tag) =	ssettag s2;
	_ =	strace s9  }
0x27: {  	s1 =	sld [smem:$0x3FAB]  }
0x28: {  	s2 =	sld [smem:$0x3FAC]  }
0x29: {  	s4 =	sld [smem:$0x3FAE]  }
0x2a: {  	p0 =	seq.s32 s5, $0x0;
	s5 =	sld [smem:$0x3FAF]  }
0x2b: {  	s6 =	sld [smem:$0x3FB0]  }
0x2c: {  	s7 =	sld [smem:$0x3FB1]  }
0x2d: {  	s3 =	simm.s32 $0x108;
	s8 =	sld [smem:$0x3FB2]  }
0x2e: {  	s3 =	simm.s32 @!p0 $0x1082;
	s9 =	sld [smem:$0x3FB3]  }
0x2f: {  	lr =	sadd.s32 s0, s3;
	s0 =	sld [smem:$0x3FAA]  }
0x30: {  	s3 =	sld [smem:$0x3FAD]  }
0x31: {  	[smem:$0x3FB6] =	sst s10  }
0x32: {  	s10 =	sld [smem:$0x3FB4];
	_ =	sdelay $0x3  }
0x33: {  	p0 =	seq.s32 s10, $0x1;
	s10 =	sld [smem:$0x3FB6];
	_ =	sdelay $0x3  }
0x34: {  	[smem:$0x3FB6] =	sst s10  }
0x35: {  	s10 =	sld [smem:$0x3FB5];
	_ =	sdelay $0x3  }
0x36: {  	p1 =	seq.s32 s10, $0x1;
	s10 =	sld [smem:$0x3FB6];
	_ =	sdelay $0x3  }
0x37: {  	[smem:$0x3FB6] =	sst s10  }
0x38: {  	s10 =	sld [smem:$0x3FB7]  }
0x39: {  	_ = 	snop;
	(pc) =	sbr.ind lr, $3  }
0x3a: {  	_ = 	snop  }
0x3b: {  	_ = 	snop  }
0x3c: {  	p2 =	seq.s32 s10, $0x1;
	s10 =	sld [smem:$0x3FB6]  }
0x3d: {  	_ =	shalt  }
0x3e: {  	_ =	shalt  }
0x3f: {  	_ =	shalt  }
0x40: {  	_ =	shalt  }
0x41: {  	_ =	shalt  }
0x42: {  	_ =	shalt  }
0x43: {  	_ =	shalt  }
0x44: {  	_ =	shalt  }
0x45: {  	_ =	shalt  }
0x46: {  	_ =	shalt  }
0x47: {  	_ =	shalt  }
0x48: {  	_ =	shalt  }
0x49: {  	_ =	shalt  }
0x4a: {  	_ =	shalt  }
0x4b: {  	_ =	shalt  }
0x4c: {  	_ =	shalt  }
0x4d: {  	_ =	shalt  }
0x4e: {  	_ =	shalt  }
0x4f: {  	_ =	shalt  }
0x50: {  	_ =	shalt  }
0x51: {  	_ =	shalt  }
0x52: {  	_ =	shalt  }
0x53: {  	_ =	shalt  }
0x54: {  	_ =	shalt  }
0x55: {  	_ =	shalt  }
0x56: {  	_ =	shalt  }
0x57: {  	_ =	shalt  }
0x58: {  	_ =	shalt  }
0x59: {  	_ =	shalt  }
0x5a: {  	_ =	shalt  }
0x5b: {  	_ =	shalt  }
0x5c: {  	_ =	shalt  }
0x5d: {  	_ =	shalt  }
0x5e: {  	_ =	shalt  }
0x5f: {  	_ =	shalt  }
0x60: {  	_ =	shalt  }
0x61: {  	_ =	shalt  }
0x62: {  	_ =	shalt  }
0x63: {  	_ =	shalt  }
0x64: {  	_ =	shalt  }
0x65: {  	_ =	shalt  }
0x66: {  	_ =	shalt  }
0x67: {  	_ =	shalt  }
0x68: {  	_ =	shalt  }
0x69: {  	_ =	shalt  }
0x6a: {  	_ =	shalt  }
0x6b: {  	_ =	shalt  }
0x6c: {  	_ =	shalt  }
0x6d: {  	_ =	shalt  }
0x6e: {  	_ =	shalt  }
0x6f: {  	_ =	shalt  }
0x70: {  	_ =	shalt  }
0x71: {  	_ =	shalt  }
0x72: {  	_ =	shalt  }
0x73: {  	_ =	shalt  }
0x74: {  	_ =	shalt  }
0x75: {  	_ =	shalt  }
0x76: {  	_ =	shalt  }
0x77: {  	_ =	shalt  }
0x78: {  	_ =	shalt  }
0x79: {  	_ =	shalt  }
0x7a: {  	_ =	shalt  }
0x7b: {  	_ =	shalt  }
0x7c: {  	_ =	shalt  }
0x7d: {  	_ =	shalt  }
0x7e: {  	_ =	shalt  }
0x7f: {  	_ =	shalt  }
0x80: {  	_ =	shalt  }
0x81: {  	_ =	shalt  }
0x82: {  	_ =	shalt  }
0x83: {  	_ =	shalt  }
0x84: {  	_ =	shalt  }
0x85: {  	_ =	shalt  }
0x86: {  	_ =	shalt  }
0x87: {  	_ =	shalt  }
.Lfunc_end0:
.L_simem_size_0:
called_computation.2_lowered:
.L_overlay_start_0:
0x88: {  	s2 =	sld [smem:$0x3FD9]  }
0x89: {  	s3 =	sld [smem:$0x3FFE];
	_ =	sdelay $0x1  }
0x8a: {  	s1 =	srdreg.scid  }
0x8b: {  	s0 =	sand.u32 $0x1, s1  }
0x8c: {  	s17 =	sshll.u32 s0, $0xA;
	s2 =	sadd.s32 s3, s2  }
0x8d: {  	s2 =	sadd.s32 s2, s17  }
0x8e: {  	[smem:$0x3FC2] =	sst s2  }
0x8f: {  	_ = 	snop  }
0x90: {  	s2 =	sld [smem:$0x3FD0];
	(tm) =	ssettm $0x1  }
0x91: {  	s18 =	sld [smem:$0x3FFB];
	_ =	sdelay $0x3  }
0x92: {  	_ =	strace s18  }
0x93: {  	s3 =	sld [smem:$0x3FFC];
	_ =	sdelay $0x3  }
0x94: {  	_ =	strace s3  }
0x95: {  	s3 =	sld [smem:$0x3FFD];
	_ =	sdelay $0x3  }
0x96: {  	_ =	strace s3  }
0x97: {  	_ =	strace $0x8FFFFFFF  }
0x98: {  	s19 =	sld [smem:$0x3FDB];
	_ =	sdelay $0x1  }
0x99: {  	s4 =	simm.s32 $_scs_section_size  }
0x9a: {  	s5 =	simm.s32 $_size__tile_overlayer_lowered;
	s6 =	simm.s32 $_tile_overlayer_lowered  }
0x9b: {  	s22 =	simm.s32 $0x1BFF;
	s21 =	sshll.u32 s6, $0x1;
	s3 =	sadd.s32 s4, s19  }
0x9c: {  	s7 =	simm.s32 $0x0;
	s20 =	sshll.u32 s5, $0x1;
	s5 =	sadd.s32 s21, s3  }
0x9d: {  	[timem:s7], [sflag:s22] =	dma.local [hbm:s5], s20  }
0x9e: {  	_ =	swait.ge [sflag:s22], s20  }
0x9f: {  	s4 =	ssub.s32 $0x0, s20;
	[sflag:s22] =	ssyncset.done $0x0  }
0xa0: {  	[sflag:s22] =	ssyncadd.s32 s4;
	_ =	sdelay $0x1  }
0xa1: {  	s23 =	simm.s32 $0x1B8B  }
0xa2: {  	_ =	swait.ge [sflag:s23], $0x1  }
0xa3: {  	[sflag:s23] =	ssyncset.done $0x0  }
0xa4: {  	s25 =	simm.s32 $0x1B8E;
	s24 =	sld [smem:$0x3FFE];
	[sflag:s23] =	ssyncadd.s32 $0xFFFFFFFF  }
0xa5: {  	s26 =	simm.s32 $execute0_lowered;
	[smem:$0x3FD2] =	sst s25  }
0xa6: {  	s5 =	sshll.u32 s26, $0x1;
	_ =	strace $0x8000004C;
	[dreg:$0x1] =	wrdreg $0xFFFFFFFF  }
0xa7: {  	s28 =	simm.s32 $_size_execute0_lowered;
	s3 =	sadd.s32 s3, s5;
	[dreg:$0x0] =	wrdreg $0x0  }
0xa8: {  	s5 =	sshll.u32 s28, $0x1;
	[dreg:$0x2] =	wrdreg s3  }
0xa9: {  	[dreg:$0x3] =	wrdreg s5  }
0xaa: {  	[dreg:$0x4] =	wrdreg $0xC0  }
0xab: {  	_ =	task [dreg:s7], $0x5FFFF  }
0xac: {  	[dreg:$0x1] =	wrdreg $0xFFFFFFFF  }
0xad: {  	[dreg:$0x0] =	wrdreg $0x60  }
0xae: {  	[dreg:$0x2] =	wrdreg s24  }
0xaf: {  	[dreg:$0x3] =	wrdreg s2  }
0xb0: {  	[dreg:$0x4] =	wrdreg $0x74000  }
0xb1: {  	[dreg:$0x5] =	wrdreg $0x9  }
0xb2: {  	_ =	task.clear_ibuf [dreg:s7], $0x6FFFF;
	_ =	strace $0x9000004C  }
0xb3: {  	s29 =	simm.s32 $0x9;
	_ =	strace $0x8000004E  }
0xb4: {  	_ =	swait.ge [sflag:s29], $0x1  }
0xb5: {  	[sflag:s29] =	ssyncadd.s32 $0xFFFFFFFF  }
0xb6: {  	_ =	strace $0x9000004E  }
0xb7: {  	_ =	sfence  }
0xb8: {  	s30 =	sld [smem:$0x0];
	_ =	sdelay $0x2  }
0xb9: {  	s31 =	sshll.u32 s1, $0xD;
	s1 =	sshrl.u32 s1, $0x2  }
0xba: {  	s3 =	sand.u32 $0x4000, s31;
	s1 =	sadd.s32 s1, s30  }
0xbb: {  	s0 =	sor.u32 s3, s0;
	s1 =	sshll.u32 s1, $0x11  }
0xbc: {  	s0 =	sor.u32 s1, s0  }
0xbd: {  	s0 =	sadd.s32 $0x8F2B, s0  }
0xbe: {  	[sflag:s0] =	ssyncadd.remote.s32 $0x1  }
0xbf: {  	_ =	sfence.sel $0xFFFF  }
0xc0: {  	[dreg:$0x0] =	wrdreg $0xFFFFFFFF;
	(pc) =	sbr.abs _section_cstart, $3  }
0xc1: {  	[dreg:$0x1] =	wrdreg $0xFFFFFFFF  }
0xc2: {  	_ =	task.clear_ibuf [dreg:s7], $0x2FFFF;
	_ =	strace $0x9FFFFFFF  }
0xc3: {  	(tm) =	ssettm $0x7FFFFFFF  }
tec
execute0_lowered:
.L_overlay_start_1:
0x0: {  	(tag) =	ssettag $0x1  }
0x1: {  	s5 =	rddreg [dreg:$0x0]  }
0x2: {  	s10 =	rddreg [dreg:$0x1]  }
0x3: {  	s2 =	rddreg [dreg:$0x2]  }
0x4: {  	s0 =	rddreg [dreg:$0x3]  }
0x5: {  	s3 =	simm.s32 $0x0;
	s1 =	stileid.u32;
	s4 =	srdreg.scid  }
0x6: {  	s17 =	simm.s32 $0x3C00;
	s18 =	simm.s32 $0x80;
	s6 =	smul.u32 $0x13C00, s1  }
0x7: {  	s19 =	simm.s32 $0x2;
	s20 =	simm.s32 $0x200;
	s25 =	smul.u32 $0x4F000, s1  }
0x8: {  	s21 =	simm.s32 $0x180;
	s7 =	sand.u32 $0x1, s4;
	s15 =	smul.u32 $0xB400, s1  }
0x9: {  	s22 =	simm.s32 $0x300;
	s23 =	simm.s32 $0x280;
	s8 =	smul.u32 $0x13C000, s7  }
0xa: {  	s24 =	simm.s32 $0x380;
	[smem:$0x7FF] =	sst s3;
	s11 =	smul.u32 $0x16, s7  }
0xb: {  	s4 =	sadd.s32 $0x2A000, s5;
	s29 =	sshll.u32 s1, $0x6;
	s13 =	smul.u32 $0x17, s7  }
0xc: {  	_ =	strace $0x8000004D;
	s12 =	ssub.s32 $0x2, s7;
	s7 =	smul.u32 $0x5800, s7  }
0xd: {  	s9 =	sshrl.u32 s6, $0x3;
	s26 =	sshrl.u32 s12, $0x1;
	s28 =	sshrl.u32 s25, $0x2  }
0xe: {  	s25 =	simm.s32 $0x0;
	s9 =	sadd.s32 s9, s5;
	s6 =	sadd.s32 s6, s8  }
0xf: {  	s12 =	ssub.s32 s12, s26;
	s16 =	sadd.s32 s28, s2;
	s13 =	sadd.s32 $0x16, s13  }
0x10: {  	s30 =	sadd.s32 s7, s15;
	s15 =	simm.s32 $0x1;
	s6 =	sshrl.u32 s6, $0x3  }
.Ltmp0:
0x11: {  	s7 =	ssub.s32 s13, s11;
	s31 =	sshrl.u32 s30, $0x3;
	(pc) =	sbr.rel .LBB2_1-.Ltmp0, $4  }
0x12: {  	p0 =	seq.s32 s13, s11;
	s11 =	sshrl.u32 s16, $0x3;
	s13 =	simm.s32 $0x70  }
0x13: {  	s16 =	simm.s32 $0x100;
	s14 =	sadd.s32 s6, s5;
	s5 =	sadd.s32 $0x2800, s9  }
0x14: {  	s6 =	sor.u32 $0x1C03, s29;
	s9 =	smax.u32 s12, $0x1;
	s10 =	sadd.s32 s31, s10  }
0x15: {  	s12 =	simm.s32 $0x3;
	s8 =	sadd.s32 $0x51800, s14;
	s14 =	simm.s32 $0x400  }
.LBB2_4:
0x16: {  	[sflag:s12] =	ssyncadd.s32 $0xFFFFC800  }
.LBB2_5:
0x17: {  	s25 =	sadd.s32 $0x1, s25  }
0x18: {  	p1 =	sne.s32 s25, s9  }
.Ltmp1:
0x19: {  	[bflag:$0x0] =	sbarrier.arrive $0xFFFF;
	(pc) =	sbr.rel @!p1 .LBB2_6-.Ltmp1, $4  }
0x1a: {  	[hbm:s8], [sflag:s6] =	dma.local [spmem:s11], $0x2780  }
0x1b: {  	_ =	swait.ge [sflag:s12], $0x2780  }
0x1c: {  	[sflag:s12] =	ssyncset.done $0x0  }
0x1d: {  	[sflag:s12] =	ssyncadd.s32 $0xFFFFD880  }
.LBB2_1:
0x1e: {  	[spmem:s11], [sflag:s6] =	dma.local [hbm:s5], $0x2780  }
.Ltmp2:
0x1f: {  	_ =	swait.ge [sflag:s12], $0x2780;
	(pc) =	sbr.rel @p0 .LBB2_5-.Ltmp2, $3  }
0x20: {  	[sflag:s12] =	ssyncset.done $0x0  }
0x21: {  	[sflag:s12] =	ssyncadd.s32 $0xFFFFD880  }
0x22: {  	[bflag:$0x0] =	sbarrier.arrive $0xFFFF;
	_ =	sdelay $0x1  }
0x23: {  	[tilespmem:s3], [sflag:$0x3] =	stream.linear.gather [hbm4b:s10+s3], $0x400, $0x38;
	[tilespmem:$0x1B000] =	vst v63  }
0x24: {  	_ =	swait.ge [sflag:s12], $0x400  }
0x25: {  	[sflag:s12] =	ssyncset.done $0x0  }
0x26: {  	[sflag:s12] =	ssyncadd.s32 $0xFFFFFC00  }
0x27: {  	[tilespmem:s14], [sflag:$0x1] =	stream.indirect.gather [hbm4b:s4+s13], $0x80, s3, s13, $0xb8;
	[tilespmem:$0x1B000] =	vst v63  }
0x28: {  	_ =	swait.ge [sflag:s15], $0x3800  }
0x29: {  	[sflag:s15] =	ssyncset.done $0x0  }
0x2a: {  	[sflag:s15] =	ssyncadd.s32 $0xFFFFC800  }
0x2b: {  	[tilespmem:s17], [sflag:$0x2] =	stream.indirect.gather [hbm4b:s4+s13], $0x80, s16, s13, $0xb8;
	[tilespmem:$0x1B000] =	vst v63  }
0x2c: {  	_ = 	snop  }
0x2d: {  	[spmem:s2] =	stream.indirect.scatter.add.f32 [tilespmem:s14], [sflag:$0x3], $0x80, s18, s13, $0xb8;
	[tilespmem:$0x1B000] =	vst v63  }
0x2e: {  	_ =	swait.ge [sflag:s12], $0x3800  }
0x2f: {  	[sflag:s12] =	ssyncset.done $0x0  }
0x30: {  	[sflag:s12] =	ssyncadd.s32 $0xFFFFC800  }
0x31: {  	_ =	swait.ge [sflag:s19], $0x3800  }
0x32: {  	[sflag:s19] =	ssyncset.done $0x0  }
0x33: {  	[sflag:s19] =	ssyncadd.s32 $0xFFFFC800  }
0x34: {  	[tilespmem:s14], [sflag:$0x1] =	stream.indirect.gather [hbm4b:s4+s13], $0x80, s20, s13, $0xb8;
	[tilespmem:$0x1B000] =	vst v63  }
0x35: {  	_ = 	snop  }
0x36: {  	[spmem:s2] =	stream.indirect.scatter.add.f32 [tilespmem:s17], [sflag:$0x3], $0x80, s21, s13, $0xb8;
	[tilespmem:$0x1B000] =	vst v63  }
0x37: {  	_ =	swait.ge [sflag:s12], $0x3800  }
0x38: {  	[sflag:s12] =	ssyncset.done $0x0  }
0x39: {  	[sflag:s12] =	ssyncadd.s32 $0xFFFFC800  }
0x3a: {  	_ =	swait.ge [sflag:s15], $0x3800  }
0x3b: {  	[sflag:s15] =	ssyncset.done $0x0  }
0x3c: {  	[sflag:s15] =	ssyncadd.s32 $0xFFFFC800  }
0x3d: {  	[tilespmem:s17], [sflag:$0x2] =	stream.indirect.gather [hbm4b:s4+s13], $0x80, s22, s13, $0xb8;
	[tilespmem:$0x1B000] =	vst v63  }
0x3e: {  	_ = 	snop  }
0x3f: {  	[spmem:s2] =	stream.indirect.scatter.add.f32 [tilespmem:s14], [sflag:$0x3], $0x80, s23, s13, $0xb8;
	[tilespmem:$0x1B000] =	vst v63  }
0x40: {  	_ =	swait.ge [sflag:s12], $0x3800  }
0x41: {  	[sflag:s12] =	ssyncset.done $0x0  }
0x42: {  	[sflag:s12] =	ssyncadd.s32 $0xFFFFC800  }
0x43: {  	p1 =	sne.s32 s7, $0x1;
	_ =	swait.ge [sflag:s19], $0x3800  }
.Ltmp3:
0x44: {  	[sflag:s19] =	ssyncset.done $0x0;
	(pc) =	sbr.rel @!p1 .LBB2_4-.Ltmp3, $4  }
0x45: {  	[sflag:s19] =	ssyncadd.s32 $0xFFFFC800  }
0x46: {  	[spmem:s2] =	stream.indirect.scatter.add.f32 [tilespmem:s17], [sflag:$0x3], $0x80, s24, s13, $0xb8;
	[tilespmem:$0x1B000] =	vst v63  }
0x47: {  	_ =	swait.ge [sflag:s12], $0x3800  }
0x48: {  	s26 =	sadd.s32 $0xFFFFFFFF, s7;
	s28 =	smov.u32 s10;
	[sflag:s12] =	ssyncset.done $0x0  }
.LBB2_3:
0x49: {  	p1 =	sne.s32 s26, $0x1;
	[sflag:s12] =	ssyncadd.s32 $0xFFFFC800;
	s28 =	sadd.s32 $0x80, s28  }
0x4a: {  	[tilespmem:s3], [sflag:$0x3] =	stream.linear.gather [hbm4b:s28+s3], $0x400, $0x38;
	[tilespmem:$0x1B000] =	vst v63  }
0x4b: {  	s26 =	sadd.s32 $0xFFFFFFFF, s26;
	_ =	swait.ge [sflag:s12], $0x400  }
0x4c: {  	[sflag:s12] =	ssyncset.done $0x0  }
0x4d: {  	[sflag:s12] =	ssyncadd.s32 $0xFFFFFC00  }
0x4e: {  	[tilespmem:s14], [sflag:$0x1] =	stream.indirect.gather [hbm4b:s4+s13], $0x80, s3, s13, $0xb8;
	[tilespmem:$0x1B000] =	vst v63  }
0x4f: {  	_ =	swait.ge [sflag:s15], $0x3800  }
0x50: {  	[sflag:s15] =	ssyncset.done $0x0  }
0x51: {  	[sflag:s15] =	ssyncadd.s32 $0xFFFFC800  }
0x52: {  	[tilespmem:s17], [sflag:$0x2] =	stream.indirect.gather [hbm4b:s4+s13], $0x80, s16, s13, $0xb8;
	[tilespmem:$0x1B000] =	vst v63  }
0x53: {  	_ = 	snop  }
0x54: {  	[spmem:s2] =	stream.indirect.scatter.add.f32 [tilespmem:s14], [sflag:$0x3], $0x80, s18, s13, $0xb8;
	[tilespmem:$0x1B000] =	vst v63  }
0x55: {  	_ =	swait.ge [sflag:s12], $0x3800  }
0x56: {  	[sflag:s12] =	ssyncset.done $0x0  }
0x57: {  	[sflag:s12] =	ssyncadd.s32 $0xFFFFC800  }
0x58: {  	_ =	swait.ge [sflag:s19], $0x3800  }
0x59: {  	[sflag:s19] =	ssyncset.done $0x0  }
0x5a: {  	[sflag:s19] =	ssyncadd.s32 $0xFFFFC800  }
0x5b: {  	[tilespmem:s14], [sflag:$0x1] =	stream.indirect.gather [hbm4b:s4+s13], $0x80, s20, s13, $0xb8;
	[tilespmem:$0x1B000] =	vst v63  }
0x5c: {  	_ = 	snop  }
0x5d: {  	[spmem:s2] =	stream.indirect.scatter.add.f32 [tilespmem:s17], [sflag:$0x3], $0x80, s21, s13, $0xb8;
	[tilespmem:$0x1B000] =	vst v63  }
0x5e: {  	_ =	swait.ge [sflag:s12], $0x3800  }
0x5f: {  	[sflag:s12] =	ssyncset.done $0x0  }
0x60: {  	[sflag:s12] =	ssyncadd.s32 $0xFFFFC800  }
0x61: {  	_ =	swait.ge [sflag:s15], $0x3800  }
0x62: {  	[sflag:s15] =	ssyncset.done $0x0  }
0x63: {  	[sflag:s15] =	ssyncadd.s32 $0xFFFFC800  }
0x64: {  	[tilespmem:s17], [sflag:$0x2] =	stream.indirect.gather [hbm4b:s4+s13], $0x80, s22, s13, $0xb8;
	[tilespmem:$0x1B000] =	vst v63  }
0x65: {  	_ = 	snop  }
0x66: {  	[spmem:s2] =	stream.indirect.scatter.add.f32 [tilespmem:s14], [sflag:$0x3], $0x80, s23, s13, $0xb8;
	[tilespmem:$0x1B000] =	vst v63  }
0x67: {  	_ =	swait.ge [sflag:s12], $0x3800  }
0x68: {  	[sflag:s12] =	ssyncset.done $0x0  }
0x69: {  	[sflag:s12] =	ssyncadd.s32 $0xFFFFC800  }
0x6a: {  	_ =	swait.ge [sflag:s19], $0x3800  }
.Ltmp4:
0x6b: {  	[sflag:s19] =	ssyncset.done $0x0;
	(pc) =	sbr.rel @p1 .LBB2_3-.Ltmp4, $4  }
0x6c: {  	[sflag:s19] =	ssyncadd.s32 $0xFFFFC800  }
0x6d: {  	[spmem:s2] =	stream.indirect.scatter.add.f32 [tilespmem:s17], [sflag:$0x3], $0x80, s24, s13, $0xb8;
	[tilespmem:$0x1B000] =	vst v63  }
0x6e: {  	_ =	swait.ge [sflag:s12], $0x3800  }
0x6f: {  	[sflag:s12] =	ssyncset.done $0x0  }
.Ltmp5:
0x70: {  	_ = 	snop;
	(pc) =	sbr.rel .LBB2_4-.Ltmp5, $1  }
0x71: {  	_ =	sdelay $0x3  }
.LBB2_6:
0x72: {  	_ =	sfence.sel $0x180000  }
0x73: {  	[bflag:$0x0] =	sbarrier.arrive $0xFFFF  }
0x74: {  	p0 =	sne.s32 s1, $0x0;
	_ =	strace $0x9000004D  }
0x75: {  	s0 =	sadd.s32 @!p0 $0x100000, s0;
	[bflag:$0x2] =	sbarrier.arrive $0xFFFF  }
0x76: {  	[sflag:s0] =	ssyncadd.tile.s32 @!p0 $0x1;
	_ =	shalt  }
.Lfunc_end2:
_tile_overlayer_lowered:
.L_overlay_start_2:
0x77: {  	(tag) =	ssettag $0x2  }
0x78: {  	s0 =	rddreg [dreg:$0x0];
	s2 =	stileid.u32  }
0x79: {  	s1 =	rddreg [dreg:$0x1];
	p0 =	sne.s32 s2, $0x0  }
0x7a: {  	s3 =	rddreg [dreg:$0x2];
	[bflag:$0x3] =	sbarrier.arrive $0xFFFF;
	s2 =	simm.s32 @!p0 $0x1C03  }
0x7b: {  	[timem:s3], [sflag:s2] =	dma.local @!p0 [hbm:s0], s1  }
0x7c: {  	s0 =	simm.s32 @!p0 $0x3  }
0x7d: {  	_ =	swait.ge @!p0 [sflag:s0], s1  }
0x7e: {  	s1 =	ssub.s32 @!p0 $0x0, s1;
	[sflag:s0] =	ssyncset.done @!p0 $0x0  }
0x7f: {  	[sflag:s0] =	ssyncadd.s32 @!p0 s1  }
0x80: {  	[bflag:$0x3] =	sbarrier.arrive $0xFFFF  }
0x81: {  	_ =	shalt  }

// kernel: kernel.9.cloned.1.call-start
scs
__scs_entry_jumppad:
0x0: {  	(pc) =	sbr.rel $0x88, $3  }
0x1: {  	(tag) =	ssettag $0x0;
	lr =	simm.s32 $0x1  }
0x2: {  	[smem:$0x3F9B] =	sst lr;
	_ =	strace $0xD0000000  }
0x3: {  	_ = 	snop  }
0x4: {  	_ = 	snop  }
0x5: {  	_ = 	snop  }
0x6: {  	_ = 	snop  }
0x7: {  	_ = 	snop  }
__scs_overlays_trampoline_lowered:
0x8: {  	[smem:$0x3FAA] =	sst s0  }
0x9: {  	[smem:$0x3FAB] =	sst s1  }
0xa: {  	[smem:$0x3FAC] =	sst s2  }
0xb: {  	[smem:$0x3FAD] =	sst s3  }
0xc: {  	[smem:$0x3FAE] =	sst s4  }
0xd: {  	[smem:$0x3FAF] =	sst s5  }
0xe: {  	[smem:$0x3FB0] =	sst s6  }
0xf: {  	[smem:$0x3FB1] =	sst s7  }
0x10: {  	[smem:$0x3FB2] =	sst s8  }
0x11: {  	[smem:$0x3FB3] =	sst s9;
	s0 =	simm.s32 @!p0 $0x0  }
0x12: {  	s1 =	sld [smem:$0x3F99];
	s0 =	simm.s32 @p0 $0x1  }
0x13: {  	[smem:$0x3FB4] =	sst s0;
	s0 =	simm.s32 @!p1 $0x0  }
0x14: {  	s2 =	sld [smem:$0x3F98];
	s0 =	simm.s32 @p1 $0x1  }
0x15: {  	[smem:$0x3FB5] =	sst s0;
	s0 =	simm.s32 @!p2 $0x0  }
0x16: {  	s3 =	sld [smem:$0x3FDB];
	s0 =	simm.s32 @p2 $0x1  }
0x17: {  	s4 =	simm.s32 $0x1BF5;
	[smem:$0x3FB7] =	sst s0  }
0x18: {  	s0 =	sld [smem:$0x3F9A];
	_ =	swait.ge [sflag:s4], $0x0  }
0x19: {  	s7 =	sld [smem:$0x3F9B]  }
0x1a: {  	s8 =	sadd.s32 $0xFFFFE003, lr  }
0x1b: {  	s9 =	sadd.s32 $0xFFFFFEF7, lr;
	s5 =	simm.s32 $0xFFFFFFFF;
	p2 =	slt.u32 s8, $0xFFFFF086  }
0x1c: {  	p1 =	slt.u32 s9, $0xF7A;
	s5 =	simm.s32 @!p2 $0x0  }
0x1d: {  	s5 =	simm.s32 @p1 $0x1;
	p0 =	seq.s32 s7, s2  }
0x1e: {  	s7 =	smul.u32 @!p0 $0xF7A, s2;
	p2 =	seq.s32 @!p0 s5, $0x0  }
0x1f: {  	s9 =	smul.u32 $0xF7A, s1;
	s8 =	simm.s32 @!p0 $0x1BF5;
	p2 =	por !p2, p0  }
0x20: {  	[sflag:s8] =	ssyncset.s32 @!p0 $0xFFFFF086;
	s6 =	sadd.s32 @!p0 s3, s7;
	s7 =	simm.s32 @!p0 $0x108  }
0x21: {  	s3 =	sadd.s32 s3, s9;
	s6 =	sadd.s32 @!p0 $0x88, s6;
	s7 =	simm.s32 @p2 $0x1082  }
0x22: {  	[simem:s7], [sflag:s8] =	dma.local @!p0 [hbm:s6], $0xF7A  }
0x23: {  	s9 =	sor.u32 $0xD0000000, s2;
	s6 =	simm.s32 $0x108;
	_ =	swait.ge @!p0 [sflag:s8], $0x0  }
0x24: {  	s3 =	sadd.s32 $0x88, s3;
	s6 =	simm.s32 @!p1 $0x1082;
	[sflag:s4] =	ssyncset.s32 $0xFFFFF086  }
0x25: {  	[simem:s6], [sflag:s4] =	dma.local [hbm:s3], $0xF7A  }
0x26: {  	[smem:$0x3F9B] =	sst s1;
	(tag) =	ssettag s2;
	_ =	strace s9  }
0x27: {  	s1 =	sld [smem:$0x3FAB]  }
0x28: {  	s2 =	sld [smem:$0x3FAC]  }
0x29: {  	s4 =	sld [smem:$0x3FAE]  }
0x2a: {  	p0 =	seq.s32 s5, $0x0;
	s5 =	sld [smem:$0x3FAF]  }
0x2b: {  	s6 =	sld [smem:$0x3FB0]  }
0x2c: {  	s7 =	sld [smem:$0x3FB1]  }
0x2d: {  	s3 =	simm.s32 $0x108;
	s8 =	sld [smem:$0x3FB2]  }
0x2e: {  	s3 =	simm.s32 @!p0 $0x1082;
	s9 =	sld [smem:$0x3FB3]  }
0x2f: {  	lr =	sadd.s32 s0, s3;
	s0 =	sld [smem:$0x3FAA]  }
0x30: {  	s3 =	sld [smem:$0x3FAD]  }
0x31: {  	[smem:$0x3FB6] =	sst s10  }
0x32: {  	s10 =	sld [smem:$0x3FB4];
	_ =	sdelay $0x3  }
0x33: {  	p0 =	seq.s32 s10, $0x1;
	s10 =	sld [smem:$0x3FB6];
	_ =	sdelay $0x3  }
0x34: {  	[smem:$0x3FB6] =	sst s10  }
0x35: {  	s10 =	sld [smem:$0x3FB5];
	_ =	sdelay $0x3  }
0x36: {  	p1 =	seq.s32 s10, $0x1;
	s10 =	sld [smem:$0x3FB6];
	_ =	sdelay $0x3  }
0x37: {  	[smem:$0x3FB6] =	sst s10  }
0x38: {  	s10 =	sld [smem:$0x3FB7]  }
0x39: {  	_ = 	snop;
	(pc) =	sbr.ind lr, $3  }
0x3a: {  	_ = 	snop  }
0x3b: {  	_ = 	snop  }
0x3c: {  	p2 =	seq.s32 s10, $0x1;
	s10 =	sld [smem:$0x3FB6]  }
0x3d: {  	_ =	shalt  }
0x3e: {  	_ =	shalt  }
0x3f: {  	_ =	shalt  }
0x40: {  	_ =	shalt  }
0x41: {  	_ =	shalt  }
0x42: {  	_ =	shalt  }
0x43: {  	_ =	shalt  }
0x44: {  	_ =	shalt  }
0x45: {  	_ =	shalt  }
0x46: {  	_ =	shalt  }
0x47: {  	_ =	shalt  }
0x48: {  	_ =	shalt  }
0x49: {  	_ =	shalt  }
0x4a: {  	_ =	shalt  }
0x4b: {  	_ =	shalt  }
0x4c: {  	_ =	shalt  }
0x4d: {  	_ =	shalt  }
0x4e: {  	_ =	shalt  }
0x4f: {  	_ =	shalt  }
0x50: {  	_ =	shalt  }
0x51: {  	_ =	shalt  }
0x52: {  	_ =	shalt  }
0x53: {  	_ =	shalt  }
0x54: {  	_ =	shalt  }
0x55: {  	_ =	shalt  }
0x56: {  	_ =	shalt  }
0x57: {  	_ =	shalt  }
0x58: {  	_ =	shalt  }
0x59: {  	_ =	shalt  }
0x5a: {  	_ =	shalt  }
0x5b: {  	_ =	shalt  }
0x5c: {  	_ =	shalt  }
0x5d: {  	_ =	shalt  }
0x5e: {  	_ =	shalt  }
0x5f: {  	_ =	shalt  }
0x60: {  	_ =	shalt  }
0x61: {  	_ =	shalt  }
0x62: {  	_ =	shalt  }
0x63: {  	_ =	shalt  }
0x64: {  	_ =	shalt  }
0x65: {  	_ =	shalt  }
0x66: {  	_ =	shalt  }
0x67: {  	_ =	shalt  }
0x68: {  	_ =	shalt  }
0x69: {  	_ =	shalt  }
0x6a: {  	_ =	shalt  }
0x6b: {  	_ =	shalt  }
0x6c: {  	_ =	shalt  }
0x6d: {  	_ =	shalt  }
0x6e: {  	_ =	shalt  }
0x6f: {  	_ =	shalt  }
0x70: {  	_ =	shalt  }
0x71: {  	_ =	shalt  }
0x72: {  	_ =	shalt  }
0x73: {  	_ =	shalt  }
0x74: {  	_ =	shalt  }
0x75: {  	_ =	shalt  }
0x76: {  	_ =	shalt  }
0x77: {  	_ =	shalt  }
0x78: {  	_ =	shalt  }
0x79: {  	_ =	shalt  }
0x7a: {  	_ =	shalt  }
0x7b: {  	_ =	shalt  }
0x7c: {  	_ =	shalt  }
0x7d: {  	_ =	shalt  }
0x7e: {  	_ =	shalt  }
0x7f: {  	_ =	shalt  }
0x80: {  	_ =	shalt  }
0x81: {  	_ =	shalt  }
0x82: {  	_ =	shalt  }
0x83: {  	_ =	shalt  }
0x84: {  	_ =	shalt  }
0x85: {  	_ =	shalt  }
0x86: {  	_ =	shalt  }
0x87: {  	_ =	shalt  }
.Lfunc_end0:
.L_simem_size_0:
called_computation_lowered:
.L_overlay_start_0:
0x88: {  	s2 =	sld [smem:$0x3FD9]  }
0x89: {  	s3 =	sld [smem:$0x3FFE];
	_ =	sdelay $0x1  }
0x8a: {  	s1 =	srdreg.scid  }
0x8b: {  	s0 =	sand.u32 $0x1, s1  }
0x8c: {  	s17 =	sshll.u32 s0, $0xA;
	s2 =	sadd.s32 s3, s2  }
0x8d: {  	s2 =	sadd.s32 s2, s17  }
0x8e: {  	[smem:$0x3FC2] =	sst s2  }
0x8f: {  	_ = 	snop  }
0x90: {  	s2 =	sld [smem:$0x3FD0];
	(tm) =	ssettm $0x1  }
0x91: {  	s18 =	sld [smem:$0x3FFB];
	_ =	sdelay $0x3  }
0x92: {  	_ =	strace s18  }
0x93: {  	s3 =	sld [smem:$0x3FFC];
	_ =	sdelay $0x3  }
0x94: {  	_ =	strace s3  }
0x95: {  	s3 =	sld [smem:$0x3FFD];
	_ =	sdelay $0x3  }
0x96: {  	_ =	strace s3  }
0x97: {  	_ =	strace $0x8FFFFFFF  }
0x98: {  	s19 =	sld [smem:$0x3FDB];
	_ =	sdelay $0x1  }
0x99: {  	s4 =	simm.s32 $_scs_section_size  }
0x9a: {  	s5 =	simm.s32 $_size__tile_overlayer_lowered;
	s6 =	simm.s32 $_tile_overlayer_lowered  }
0x9b: {  	s22 =	simm.s32 $0x1BFF;
	s21 =	sshll.u32 s6, $0x1;
	s3 =	sadd.s32 s4, s19  }
0x9c: {  	s7 =	simm.s32 $0x0;
	s20 =	sshll.u32 s5, $0x1;
	s5 =	sadd.s32 s21, s3  }
0x9d: {  	[timem:s7], [sflag:s22] =	dma.local [hbm:s5], s20  }
0x9e: {  	_ =	swait.ge [sflag:s22], s20  }
0x9f: {  	s4 =	ssub.s32 $0x0, s20;
	[sflag:s22] =	ssyncset.done $0x0  }
0xa0: {  	[sflag:s22] =	ssyncadd.s32 s4;
	_ =	sdelay $0x1  }
0xa1: {  	s23 =	simm.s32 $0x1B8B  }
0xa2: {  	_ =	swait.ge [sflag:s23], $0x1  }
0xa3: {  	[sflag:s23] =	ssyncset.done $0x0  }
0xa4: {  	s25 =	simm.s32 $0x1B8E;
	s24 =	sld [smem:$0x3FFE];
	[sflag:s23] =	ssyncadd.s32 $0xFFFFFFFF  }
0xa5: {  	s26 =	simm.s32 $execute0_lowered;
	[smem:$0x3FD2] =	sst s25  }
0xa6: {  	s5 =	sshll.u32 s26, $0x1;
	_ =	strace $0x80000046;
	[dreg:$0x1] =	wrdreg $0xFFFFFFFF  }
0xa7: {  	s28 =	simm.s32 $_size_execute0_lowered;
	s3 =	sadd.s32 s3, s5;
	[dreg:$0x0] =	wrdreg $0x0  }
0xa8: {  	s5 =	sshll.u32 s28, $0x1;
	[dreg:$0x2] =	wrdreg s3  }
0xa9: {  	[dreg:$0x3] =	wrdreg s5  }
0xaa: {  	[dreg:$0x4] =	wrdreg $0xC0  }
0xab: {  	_ =	task [dreg:s7], $0x5FFFF  }
0xac: {  	[dreg:$0x1] =	wrdreg $0xFFFFFFFF  }
0xad: {  	[dreg:$0x0] =	wrdreg $0x60  }
0xae: {  	[dreg:$0x2] =	wrdreg s2  }
0xaf: {  	[dreg:$0x3] =	wrdreg s24  }
0xb0: {  	[dreg:$0x4] =	wrdreg $0x3C000  }
0xb1: {  	[dreg:$0x5] =	wrdreg $0x9  }
0xb2: {  	_ =	task.clear_ibuf [dreg:s7], $0x6FFFF;
	_ =	strace $0x90000046  }
0xb3: {  	s29 =	simm.s32 $0x9;
	_ =	strace $0x80000048  }
0xb4: {  	_ =	swait.ge [sflag:s29], $0x1  }
0xb5: {  	[sflag:s29] =	ssyncadd.s32 $0xFFFFFFFF  }
0xb6: {  	_ =	strace $0x90000048  }
0xb7: {  	_ =	sfence  }
0xb8: {  	s30 =	sld [smem:$0x0];
	_ =	sdelay $0x2  }
0xb9: {  	s31 =	sshll.u32 s1, $0xD;
	s1 =	sshrl.u32 s1, $0x2  }
0xba: {  	s3 =	sand.u32 $0x4000, s31;
	s1 =	sadd.s32 s1, s30  }
0xbb: {  	s0 =	sor.u32 s3, s0;
	s1 =	sshll.u32 s1, $0x11  }
0xbc: {  	s0 =	sor.u32 s1, s0  }
0xbd: {  	s0 =	sadd.s32 $0x8F2B, s0  }
0xbe: {  	[sflag:s0] =	ssyncadd.remote.s32 $0x1  }
0xbf: {  	_ =	sfence.sel $0xFFFF  }
0xc0: {  	[dreg:$0x0] =	wrdreg $0xFFFFFFFF;
	(pc) =	sbr.abs _section_cstart, $3  }
0xc1: {  	[dreg:$0x1] =	wrdreg $0xFFFFFFFF  }
0xc2: {  	_ =	task.clear_ibuf [dreg:s7], $0x2FFFF;
	_ =	strace $0x9FFFFFFF  }
0xc3: {  	(tm) =	ssettm $0x7FFFFFFF  }
tec
execute0_lowered:
.L_overlay_start_1:
0x0: {  	(tag) =	ssettag $0x1  }
0x1: {  	s10 =	rddreg [dreg:$0x0]  }
0x2: {  	s5 =	rddreg [dreg:$0x1]  }
0x3: {  	s2 =	rddreg [dreg:$0x2];
	s1 =	stileid.u32  }
0x4: {  	s0 =	rddreg [dreg:$0x3];
	s3 =	simm.s32 $0x0;
	s6 =	smul.u32 $0x13C00, s1  }
0x5: {  	s4 =	srdreg.scid;
	s17 =	simm.s32 $0x280;
	s25 =	smul.u32 $0x4F000, s1  }
0x6: {  	s18 =	simm.s32 $0x380;
	s7 =	sand.u32 $0x1, s4;
	s15 =	smul.u32 $0xB400, s1  }
0x7: {  	s19 =	simm.s32 $0x0;
	[smem:$0x7FF] =	sst s3;
	s8 =	smul.u32 $0x13C000, s7  }
0x8: {  	s4 =	sadd.s32 $0x2000, s5;
	s29 =	sshll.u32 s1, $0x6;
	s11 =	smul.u32 $0x16, s7  }
0x9: {  	_ =	strace $0x80000047;
	s12 =	ssub.s32 $0x2, s7;
	s13 =	smul.u32 $0x17, s7  }
0xa: {  	s7 =	smul.u32 $0x5800, s7;
	s9 =	sshrl.u32 s6, $0x3;
	s26 =	sshrl.u32 s12, $0x1  }
0xb: {  	s28 =	sshrl.u32 s25, $0x2;
	s9 =	sadd.s32 s9, s5;
	s6 =	sadd.s32 s6, s8  }
0xc: {  	s12 =	ssub.s32 s12, s26;
	s16 =	sadd.s32 s28, s2;
	s13 =	sadd.s32 $0x16, s13  }
0xd: {  	s30 =	sadd.s32 s7, s15;
	s15 =	simm.s32 $0x80;
	s6 =	sshrl.u32 s6, $0x3  }
.Ltmp0:
0xe: {  	s7 =	ssub.s32 s13, s11;
	s31 =	sshrl.u32 s30, $0x3;
	(pc) =	sbr.rel .LBB2_1-.Ltmp0, $4  }
0xf: {  	p0 =	seq.s32 s13, s11;
	s11 =	sshrl.u32 s16, $0x3;
	s13 =	simm.s32 $0x400  }
0x10: {  	s16 =	simm.s32 $0x180;
	s14 =	sadd.s32 s6, s5;
	s5 =	sadd.s32 $0x2800, s9  }
0x11: {  	s6 =	sor.u32 $0x1C01, s29;
	s9 =	smax.u32 s12, $0x1;
	s10 =	sadd.s32 s31, s10  }
0x12: {  	s12 =	simm.s32 $0x1;
	s8 =	sadd.s32 $0x2A000, s14;
	s14 =	simm.s32 $0x70  }
.LBB2_4:
0x13: {  	[sflag:s12] =	ssyncadd.s32 $0xFFFFC800  }
.LBB2_5:
0x14: {  	s19 =	sadd.s32 $0x1, s19  }
0x15: {  	p1 =	sne.s32 s19, s9  }
.Ltmp1:
0x16: {  	[bflag:$0x0] =	sbarrier.arrive $0xFFFF;
	(pc) =	sbr.rel @!p1 .LBB2_6-.Ltmp1, $4  }
0x17: {  	[hbm:s8], [sflag:s6] =	dma.local [spmem:s11], $0x2780  }
0x18: {  	_ =	swait.ge [sflag:s12], $0x2780  }
0x19: {  	[sflag:s12] =	ssyncset.done $0x0  }
0x1a: {  	[sflag:s12] =	ssyncadd.s32 $0xFFFFD880  }
.LBB2_1:
0x1b: {  	[spmem:s11], [sflag:s6] =	dma.local [hbm:s5], $0x2780  }
0x1c: {  	_ =	swait.ge [sflag:s12], $0x2780  }
0x1d: {  	[sflag:s12] =	ssyncset.done $0x0  }
0x1e: {  	[sflag:s12] =	ssyncadd.s32 $0xFFFFD880  }
0x1f: {  	[tilespmem:s13], [sflag:$0x1] =	stream.linear.gather [hbm4b:s4+s3], $0x3800, $0x38;
	[tilespmem:$0x17800] =	vst v63  }
.Ltmp2:
0x20: {  	_ =	swait.ge [sflag:s12], $0x3800;
	(pc) =	sbr.rel @p0 .LBB2_5-.Ltmp2, $3  }
0x21: {  	[sflag:s12] =	ssyncset.done $0x0  }
0x22: {  	[sflag:s12] =	ssyncadd.s32 $0xFFFFC800  }
0x23: {  	[bflag:$0x0] =	sbarrier.arrive $0xFFFF;
	_ =	sdelay $0x1  }
0x24: {  	[tilespmem:s3], [sflag:$0x1] =	stream.linear.gather [hbm4b:s10+s3], $0x400, $0x38;
	[tilespmem:$0x17800] =	vst v63  }
0x25: {  	_ =	swait.ge [sflag:s12], $0x400  }
0x26: {  	[sflag:s12] =	ssyncset.done $0x0  }
0x27: {  	[sflag:s12] =	ssyncadd.s32 $0xFFFFFC00  }
0x28: {  	[spmem:s2] =	stream.indirect.scatter.add.f32 [tilespmem:s13], [sflag:$0x1], $0x80, s15, s14, $0xb8;
	[tilespmem:$0x17800] =	vst v63  }
0x29: {  	_ =	swait.ge [sflag:s12], $0x3800  }
0x2a: {  	[sflag:s12] =	ssyncset.done $0x0  }
0x2b: {  	[sflag:s12] =	ssyncadd.s32 $0xFFFFC800  }
0x2c: {  	[spmem:s2] =	stream.indirect.scatter.add.f32 [tilespmem:s13], [sflag:$0x1], $0x80, s16, s14, $0xb8;
	[tilespmem:$0x17800] =	vst v63  }
0x2d: {  	_ =	swait.ge [sflag:s12], $0x3800  }
0x2e: {  	[sflag:s12] =	ssyncset.done $0x0  }
0x2f: {  	[sflag:s12] =	ssyncadd.s32 $0xFFFFC800  }
0x30: {  	[spmem:s2] =	stream.indirect.scatter.add.f32 [tilespmem:s13], [sflag:$0x1], $0x80, s17, s14, $0xb8;
	[tilespmem:$0x17800] =	vst v63  }
0x31: {  	p1 =	sne.s32 s7, $0x1;
	_ =	swait.ge [sflag:s12], $0x3800  }
.Ltmp3:
0x32: {  	[sflag:s12] =	ssyncset.done $0x0;
	(pc) =	sbr.rel @!p1 .LBB2_4-.Ltmp3, $4  }
0x33: {  	[sflag:s12] =	ssyncadd.s32 $0xFFFFC800  }
0x34: {  	[spmem:s2] =	stream.indirect.scatter.add.f32 [tilespmem:s13], [sflag:$0x1], $0x80, s18, s14, $0xb8;
	[tilespmem:$0x17800] =	vst v63  }
0x35: {  	_ =	swait.ge [sflag:s12], $0x3800  }
0x36: {  	s20 =	sadd.s32 $0xFFFFFFFF, s7;
	s21 =	smov.u32 s10;
	[sflag:s12] =	ssyncset.done $0x0  }
.LBB2_3:
0x37: {  	p1 =	sne.s32 s20, $0x1;
	[sflag:s12] =	ssyncadd.s32 $0xFFFFC800;
	s21 =	sadd.s32 $0x80, s21  }
0x38: {  	[tilespmem:s3], [sflag:$0x1] =	stream.linear.gather [hbm4b:s21+s3], $0x400, $0x38;
	[tilespmem:$0x17800] =	vst v63  }
0x39: {  	s20 =	sadd.s32 $0xFFFFFFFF, s20;
	_ =	swait.ge [sflag:s12], $0x400  }
0x3a: {  	[sflag:s12] =	ssyncset.done $0x0  }
0x3b: {  	[sflag:s12] =	ssyncadd.s32 $0xFFFFFC00  }
0x3c: {  	[spmem:s2] =	stream.indirect.scatter.add.f32 [tilespmem:s13], [sflag:$0x1], $0x80, s15, s14, $0xb8;
	[tilespmem:$0x17800] =	vst v63  }
0x3d: {  	_ =	swait.ge [sflag:s12], $0x3800  }
0x3e: {  	[sflag:s12] =	ssyncset.done $0x0  }
0x3f: {  	[sflag:s12] =	ssyncadd.s32 $0xFFFFC800  }
0x40: {  	[spmem:s2] =	stream.indirect.scatter.add.f32 [tilespmem:s13], [sflag:$0x1], $0x80, s16, s14, $0xb8;
	[tilespmem:$0x17800] =	vst v63  }
0x41: {  	_ =	swait.ge [sflag:s12], $0x3800  }
0x42: {  	[sflag:s12] =	ssyncset.done $0x0  }
0x43: {  	[sflag:s12] =	ssyncadd.s32 $0xFFFFC800  }
0x44: {  	[spmem:s2] =	stream.indirect.scatter.add.f32 [tilespmem:s13], [sflag:$0x1], $0x80, s17, s14, $0xb8;
	[tilespmem:$0x17800] =	vst v63  }
0x45: {  	_ =	swait.ge [sflag:s12], $0x3800  }
.Ltmp4:
0x46: {  	[sflag:s12] =	ssyncset.done $0x0;
	(pc) =	sbr.rel @p1 .LBB2_3-.Ltmp4, $4  }
0x47: {  	[sflag:s12] =	ssyncadd.s32 $0xFFFFC800  }
0x48: {  	[spmem:s2] =	stream.indirect.scatter.add.f32 [tilespmem:s13], [sflag:$0x1], $0x80, s18, s14, $0xb8;
	[tilespmem:$0x17800] =	vst v63  }
0x49: {  	_ =	swait.ge [sflag:s12], $0x3800  }
0x4a: {  	[sflag:s12] =	ssyncset.done $0x0  }
.Ltmp5:
0x4b: {  	_ = 	snop;
	(pc) =	sbr.rel .LBB2_4-.Ltmp5, $1  }
0x4c: {  	_ =	sdelay $0x3  }
.LBB2_6:
0x4d: {  	_ =	sfence.sel $0x180000  }
0x4e: {  	[bflag:$0x0] =	sbarrier.arrive $0xFFFF  }
0x4f: {  	p0 =	sne.s32 s1, $0x0;
	_ =	strace $0x90000047  }
0x50: {  	s0 =	sadd.s32 @!p0 $0x100000, s0;
	[bflag:$0x2] =	sbarrier.arrive $0xFFFF  }
0x51: {  	[sflag:s0] =	ssyncadd.tile.s32 @!p0 $0x1;
	_ =	shalt  }
.Lfunc_end2:
_tile_overlayer_lowered:
.L_overlay_start_2:
0x52: {  	(tag) =	ssettag $0x2  }
0x53: {  	s0 =	rddreg [dreg:$0x0];
	s2 =	stileid.u32  }
0x54: {  	s1 =	rddreg [dreg:$0x1];
	p0 =	sne.s32 s2, $0x0  }
0x55: {  	s3 =	rddreg [dreg:$0x2];
	[bflag:$0x3] =	sbarrier.arrive $0xFFFF;
	s2 =	simm.s32 @!p0 $0x1C01  }
0x56: {  	[timem:s3], [sflag:s2] =	dma.local @!p0 [hbm:s0], s1  }
0x57: {  	s0 =	simm.s32 @!p0 $0x1  }
0x58: {  	_ =	swait.ge @!p0 [sflag:s0], s1  }
0x59: {  	s1 =	ssub.s32 @!p0 $0x0, s1;
	[sflag:s0] =	ssyncset.done @!p0 $0x0  }
0x5a: {  	[sflag:s0] =	ssyncadd.s32 @!p0 s1  }
0x5b: {  	[bflag:$0x3] =	sbarrier.arrive $0xFFFF  }
0x5c: {  	_ =	shalt  }

</sc_bundles>
